<compile_context>
chip_gen: v7x
topology: tpu7x:2x2x1
jax: 0.10.2.dev20260603
libtpu: 0.0.44.dev20260713+nightly
codegen_flags: <defaults>
</compile_context>

<pallas_src>
import jax
import jax.numpy as jnp
from jax import lax
from jax.experimental import pallas as pl
from jax.experimental.pallas import tpu as pltpu
from jax.experimental.pallas import tpu_sc as plsc

SEQ_LEN = 2048
N_EMBD = 768
NUM_CORES = 2
NUM_SUBCORES = 16
NUM_WORKERS = NUM_CORES * NUM_SUBCORES
ROWS_PER_WORKER = SEQ_LEN // NUM_WORKERS
LANES = 16
VECS_PER_ROW = N_EMBD // LANES


def _emb_body(ids_hbm, wte_hbm, wpe_hbm, out_hbm, idx_v, rows_v,
              wpe_v, gat_sem, lin_sem):
    wid = lax.axis_index("s") * NUM_CORES + lax.axis_index("c")
    base = wid * ROWS_PER_WORKER

    lin = pltpu.async_copy(wpe_hbm.at[pl.ds(base, ROWS_PER_WORKER)], wpe_v,
                           lin_sem)
    pltpu.sync_copy(ids_hbm.at[pl.ds(base, ROWS_PER_WORKER)], idx_v)
    gat = pltpu.async_copy(wte_hbm.at[idx_v], rows_v, gat_sem)
    gat.wait()
    lin.wait()

    def add_row(j, carry):
        for i in range(VECS_PER_ROW):
            sl = pl.ds(i * LANES, LANES)
            rows_v[j, sl] += wpe_v[j, sl]
        return carry

    lax.fori_loop(0, ROWS_PER_WORKER, add_row, 0, unroll=False)

    pltpu.sync_copy(rows_v, out_hbm.at[0, pl.ds(base, ROWS_PER_WORKER)])


@jax.jit
def _embedding(input_ids, wte, wpe):
    mesh = plsc.VectorSubcoreMesh(core_axis_name="c", subcore_axis_name="s")
    run = pl.kernel(
        _emb_body,
        out_type=jax.ShapeDtypeStruct((1, SEQ_LEN, N_EMBD), jnp.float32),
        mesh=mesh,
        scratch_types=[
            pltpu.VMEM((ROWS_PER_WORKER,), jnp.int32),
            pltpu.VMEM((ROWS_PER_WORKER, N_EMBD), jnp.float32),
            pltpu.VMEM((ROWS_PER_WORKER, N_EMBD), jnp.float32),
            pltpu.SemaphoreType.DMA,
            pltpu.SemaphoreType.DMA,
        ],
    )
    return run(input_ids, wte, wpe)


def kernel(input_ids, wte, wpe):
    return _embedding(input_ids.astype(jnp.int32), wte, wpe)

# --- scband reference (transcript-rebuilt; emitter-appended) ---
"""Pipeline reference for scband-embedding-48069273977056 (READ-ONLY COPY).

The authoritative reference and input builder live on the scoring server;
editing this copy changes nothing except your own understanding.
"""

import jax, jax.numpy as jnp
import numpy as np

VOCAB_SIZE = 50257
N_POSITION = 2048
N_EMBD = 768
SEQ_LEN = 2048


def setup_inputs(seed: int = 0) -> dict:
    key = jax.random.key(seed)
    k1, k2, k3 = jax.random.split(key, 3)
    input_ids = jax.random.randint(k1, (SEQ_LEN,), 0, VOCAB_SIZE, dtype=jnp.int64 if jax.config.jax_enable_x64 else jnp.int32)
    wte = jax.random.normal(k2, (VOCAB_SIZE, N_EMBD), dtype=jnp.float32) * 0.02
    wpe = jax.random.normal(k3, (N_POSITION, N_EMBD), dtype=jnp.float32) * 0.02
    return {"input_ids": input_ids, "wte": wte, "wpe": wpe}


def reference(input_ids, wte, wpe):
    # kcache is None path: positional embeddings for arange(len(input_ids))
    seq_len = input_ids.shape[0]
    wpe_out = jnp.take(wpe, jnp.arange(seq_len), axis=0)  # [S, n_embd]
    tok = jnp.take(wte, input_ids, axis=0)                # [S, n_embd]
    x = tok + wpe_out
    return x[None, :, :]  # unsqueeze(0) -> [1, S, n_embd]

if __name__ == "__main__":
    import jax
    _d = setup_inputs()
    print(jax.jit(kernel)(*tuple(_d.values())))

</pallas_src>

<mosaic_0001>
#map = affine_map<(d0, d1) -> (0)>
#map1 = affine_map<(d0, d1) -> (0, 0)>
#map2 = affine_map<(d0, d1) -> (0, 0, 0)>
module attributes {stable_mosaic.version = 14 : i64} {
  func.func @_emb_body(%arg0: i32, %arg1: i32, %arg2: memref<2048xi32, #tpu.memory_space<hbm>>, %arg3: memref<50257x768xf32, #tpu.memory_space<hbm>>, %arg4: memref<2048x768xf32, #tpu.memory_space<hbm>>, %arg5: memref<1x2048x768xf32, #tpu.memory_space<hbm>>, %arg6: memref<64xi32, #tpu.memory_space<vmem>>, %arg7: memref<64x768xf32, #tpu.memory_space<vmem>>, %arg8: memref<64x768xf32, #tpu.memory_space<vmem>>, %arg9: memref<!tpu.dma_semaphore, #tpu.memory_space<semaphore_mem>>, %arg10: memref<!tpu.dma_semaphore, #tpu.memory_space<semaphore_mem>>) attributes {dimension_semantics = [#tpu.dimension_semantics<core_parallel>, #tpu.dimension_semantics<subcore_parallel>], iteration_bounds = array<i64: 2, 16>, scalar_prefetch = 0 : i64, scratch_operands = 5 : i64, tpu.core_type = #tpu.core_type<sc_vector_subcore>, window_params = [{transform_indices = #map}, {transform_indices = #map1}, {transform_indices = #map1}, {transform_indices = #map2}]} {
    %mul3A = arith.constant 2 : i32
    %mul3A_0 = arith.muli %arg1, %mul3A : i32
    %add3A = arith.addi %mul3A_0, %arg0 : i32
    %mul3A_1 = arith.constant 64 : i32
    %mul3A_2 = arith.muli %add3A, %mul3A_1 : i32
    %dma_start3A = arith.constant 0 : i32
    %dma_start3A_3 = tpu.memref_slice %arg4[%mul3A_2, %dma_start3A] : memref<2048x768xf32, #tpu.memory_space<hbm>> -> memref<64x768xf32, #tpu.memory_space<hbm>>
    %dma_start3A_4 = arith.constant 0 : i32
    %dma_start3A_5 = tpu.memref_slice %arg4[%mul3A_2, %dma_start3A_4] : memref<2048x768xf32, #tpu.memory_space<hbm>> -> memref<64x768xf32, #tpu.memory_space<hbm>>
    tpu.enqueue_dma source(%dma_start3A_5 : memref<64x768xf32, #tpu.memory_space<hbm>>) target(%arg8 : memref<64x768xf32, #tpu.memory_space<vmem>>) target_semaphore(%arg10 : memref<!tpu.dma_semaphore, #tpu.memory_space<semaphore_mem>>)
    "tpu.region"() ({
      %run_scoped3A_20 = tpu.sem_alloc : memref<!tpu.dma_semaphore, #tpu.memory_space<semaphore_mem>>
      %dma_start3A_21 = tpu.memref_slice %arg2[%mul3A_2] : memref<2048xi32, #tpu.memory_space<hbm>> -> memref<64xi32, #tpu.memory_space<hbm>>
      %dma_start3A_22 = tpu.memref_slice %arg2[%mul3A_2] : memref<2048xi32, #tpu.memory_space<hbm>> -> memref<64xi32, #tpu.memory_space<hbm>>
      tpu.enqueue_dma source(%dma_start3A_22 : memref<64xi32, #tpu.memory_space<hbm>>) target(%arg6 : memref<64xi32, #tpu.memory_space<vmem>>) target_semaphore(%run_scoped3A_20 : memref<!tpu.dma_semaphore, #tpu.memory_space<semaphore_mem>>)
      %dma_wait3A_23 = tpu.memref_slice %arg2[%mul3A_2] : memref<2048xi32, #tpu.memory_space<hbm>> -> memref<64xi32, #tpu.memory_space<hbm>>
      %dma_wait3A_24 = tpu.memref_slice %arg2[%mul3A_2] : memref<2048xi32, #tpu.memory_space<hbm>> -> memref<64xi32, #tpu.memory_space<hbm>>
      tpu.wait_dma2 semaphore(%run_scoped3A_20 : memref<!tpu.dma_semaphore, #tpu.memory_space<semaphore_mem>>) src(%dma_wait3A_24 : memref<64xi32, #tpu.memory_space<hbm>>) dst(%arg6 : memref<64xi32, #tpu.memory_space<vmem>>)
      tpu.yield
    }) : () -> ()
    %dma_start3A_6 = arith.constant 0 : i32
    %dma_start3A_7 = arith.constant 0 : i32
    %dma_start3A_8 = tpu.memref_slice %arg3[%dma_start3A_6, %dma_start3A_7] : memref<50257x768xf32, #tpu.memory_space<hbm>> -> memref<50257x768xf32, #tpu.memory_space<hbm>>
    tpu.enqueue_indirect_dma source(%dma_start3A_8 : memref<50257x768xf32, #tpu.memory_space<hbm>>) target(%arg7 : memref<64x768xf32, #tpu.memory_space<vmem>>) offsets(%arg6 : memref<64xi32, #tpu.memory_space<vmem>>) semaphore(%arg9 : memref<!tpu.dma_semaphore, #tpu.memory_space<semaphore_mem>>)
    %dma_wait3A = arith.constant 0 : i32
    %dma_wait3A_9 = arith.constant 0 : i32
    %dma_wait3A_10 = tpu.memref_slice %arg3[%dma_wait3A, %dma_wait3A_9] : memref<50257x768xf32, #tpu.memory_space<hbm>> -> memref<50257x768xf32, #tpu.memory_space<hbm>>
    tpu.wait_indirect_dma semaphore(%arg9 : memref<!tpu.dma_semaphore, #tpu.memory_space<semaphore_mem>>) src(%dma_wait3A_10 : memref<50257x768xf32, #tpu.memory_space<hbm>>) dst(%arg7 : memref<64x768xf32, #tpu.memory_space<vmem>>)
    %dma_wait3A_11 = arith.constant 0 : i32
    %dma_wait3A_12 = tpu.memref_slice %arg4[%mul3A_2, %dma_wait3A_11] : memref<2048x768xf32, #tpu.memory_space<hbm>> -> memref<64x768xf32, #tpu.memory_space<hbm>>
    %dma_wait3A_13 = arith.constant 0 : i32
    %dma_wait3A_14 = tpu.memref_slice %arg4[%mul3A_2, %dma_wait3A_13] : memref<2048x768xf32, #tpu.memory_space<hbm>> -> memref<64x768xf32, #tpu.memory_space<hbm>>
    tpu.wait_dma2 semaphore(%arg10 : memref<!tpu.dma_semaphore, #tpu.memory_space<semaphore_mem>>) src(%dma_wait3A_14 : memref<64x768xf32, #tpu.memory_space<hbm>>) dst(%arg8 : memref<64x768xf32, #tpu.memory_space<vmem>>)
    %scan3A = arith.constant 0 : i32
    %scan3A_15 = arith.constant 0 : i32
    %scan3A_16 = arith.constant 64 : i32
    %scan3A_17 = arith.addi %scan3A_15, %scan3A_16 : i32
    %scan3A_18 = arith.constant 1 : i32
    scf.for %scan3A_20 = %scan3A_15 to %scan3A_17 step %scan3A_18  : i32 {
      %get3A = arith.index_cast %scan3A_20 : i32 to index
      %get3A_21 = arith.constant 0 : index
      %get3A_22 = tpu.vector_load %arg7[%get3A, %get3A_21] {strides = array<i32>} : memref<64x768xf32, #tpu.memory_space<vmem>>, vector<1x16xf32>,
      %get3A_23 = vector.shape_cast %get3A_22 : vector<1x16xf32> to vector<16xf32>
      %get3A_24 = arith.index_cast %scan3A_20 : i32 to index
      %get3A_25 = arith.constant 0 : index
      %get3A_26 = tpu.vector_load %arg8[%get3A_24, %get3A_25] {strides = array<i32>} : memref<64x768xf32, #tpu.memory_space<vmem>>, vector<1x16xf32>,
      %get3A_27 = vector.shape_cast %get3A_26 : vector<1x16xf32> to vector<16xf32>
      %add3A_28 = arith.addf %get3A_23, %get3A_27 : vector<16xf32>
      %swap3A = arith.index_cast %scan3A_20 : i32 to index
      %swap3A_29 = arith.constant 0 : index
      %swap3A_30 = tpu.vector_load %arg7[%swap3A, %swap3A_29] {strides = array<i32>} : memref<64x768xf32, #tpu.memory_space<vmem>>, vector<1x16xf32>,
      %swap3A_31 = vector.shape_cast %swap3A_30 : vector<1x16xf32> to vector<16xf32>
      %swap3A_32 = vector.shape_cast %add3A_28 : vector<16xf32> to vector<1x16xf32>
      tpu.vector_store %arg7[%swap3A, %swap3A_29], %swap3A_32 {strides = array<i32>} : memref<64x768xf32, #tpu.memory_space<vmem>>, vector<1x16xf32>,
      %get3A_33 = arith.index_cast %scan3A_20 : i32 to index
      %get3A_34 = arith.constant 16 : index
      %get3A_35 = tpu.vector_load %arg7[%get3A_33, %get3A_34] {strides = array<i32>} : memref<64x768xf32, #tpu.memory_space<vmem>>, vector<1x16xf32>,
      %get3A_36 = vector.shape_cast %get3A_35 : vector<1x16xf32> to vector<16xf32>
      %get3A_37 = arith.index_cast %scan3A_20 : i32 to index
      %get3A_38 = arith.constant 16 : index
      %get3A_39 = tpu.vector_load %arg8[%get3A_37, %get3A_38] {strides = array<i32>} : memref<64x768xf32, #tpu.memory_space<vmem>>, vector<1x16xf32>,
      %get3A_40 = vector.shape_cast %get3A_39 : vector<1x16xf32> to vector<16xf32>
      %add3A_41 = arith.addf %get3A_36, %get3A_40 : vector<16xf32>
      %swap3A_42 = arith.index_cast %scan3A_20 : i32 to index
      %swap3A_43 = arith.constant 16 : index
      %swap3A_44 = tpu.vector_load %arg7[%swap3A_42, %swap3A_43] {strides = array<i32>} : memref<64x768xf32, #tpu.memory_space<vmem>>, vector<1x16xf32>,
      %swap3A_45 = vector.shape_cast %swap3A_44 : vector<1x16xf32> to vector<16xf32>
      %swap3A_46 = vector.shape_cast %add3A_41 : vector<16xf32> to vector<1x16xf32>
      tpu.vector_store %arg7[%swap3A_42, %swap3A_43], %swap3A_46 {strides = array<i32>} : memref<64x768xf32, #tpu.memory_space<vmem>>, vector<1x16xf32>,
      %get3A_47 = arith.index_cast %scan3A_20 : i32 to index
      %get3A_48 = arith.constant 32 : index
      %get3A_49 = tpu.vector_load %arg7[%get3A_47, %get3A_48] {strides = array<i32>} : memref<64x768xf32, #tpu.memory_space<vmem>>, vector<1x16xf32>,
      %get3A_50 = vector.shape_cast %get3A_49 : vector<1x16xf32> to vector<16xf32>
      %get3A_51 = arith.index_cast %scan3A_20 : i32 to index
      %get3A_52 = arith.constant 32 : index
      %get3A_53 = tpu.vector_load %arg8[%get3A_51, %get3A_52] {strides = array<i32>} : memref<64x768xf32, #tpu.memory_space<vmem>>, vector<1x16xf32>,
      %get3A_54 = vector.shape_cast %get3A_53 : vector<1x16xf32> to vector<16xf32>
      %add3A_55 = arith.addf %get3A_50, %get3A_54 : vector<16xf32>
      %swap3A_56 = arith.index_cast %scan3A_20 : i32 to index
      %swap3A_57 = arith.constant 32 : index
      %swap3A_58 = tpu.vector_load %arg7[%swap3A_56, %swap3A_57] {strides = array<i32>} : memref<64x768xf32, #tpu.memory_space<vmem>>, vector<1x16xf32>,
      %swap3A_59 = vector.shape_cast %swap3A_58 : vector<1x16xf32> to vector<16xf32>
      %swap3A_60 = vector.shape_cast %add3A_55 : vector<16xf32> to vector<1x16xf32>
      tpu.vector_store %arg7[%swap3A_56, %swap3A_57], %swap3A_60 {strides = array<i32>} : memref<64x768xf32, #tpu.memory_space<vmem>>, vector<1x16xf32>,
      %get3A_61 = arith.index_cast %scan3A_20 : i32 to index
      %get3A_62 = arith.constant 48 : index
      %get3A_63 = tpu.vector_load %arg7[%get3A_61, %get3A_62] {strides = array<i32>} : memref<64x768xf32, #tpu.memory_space<vmem>>, vector<1x16xf32>,
      %get3A_64 = vector.shape_cast %get3A_63 : vector<1x16xf32> to vector<16xf32>
      %get3A_65 = arith.index_cast %scan3A_20 : i32 to index
      %get3A_66 = arith.constant 48 : index
      %get3A_67 = tpu.vector_load %arg8[%get3A_65, %get3A_66] {strides = array<i32>} : memref<64x768xf32, #tpu.memory_space<vmem>>, vector<1x16xf32>,
      %get3A_68 = vector.shape_cast %get3A_67 : vector<1x16xf32> to vector<16xf32>
      %add3A_69 = arith.addf %get3A_64, %get3A_68 : vector<16xf32>
      %swap3A_70 = arith.index_cast %scan3A_20 : i32 to index
      %swap3A_71 = arith.constant 48 : index
      %swap3A_72 = tpu.vector_load %arg7[%swap3A_70, %swap3A_71] {strides = array<i32>} : memref<64x768xf32, #tpu.memory_space<vmem>>, vector<1x16xf32>,
      %swap3A_73 = vector.shape_cast %swap3A_72 : vector<1x16xf32> to vector<16xf32>
      %swap3A_74 = vector.shape_cast %add3A_69 : vector<16xf32> to vector<1x16xf32>
      tpu.vector_store %arg7[%swap3A_70, %swap3A_71], %swap3A_74 {strides = array<i32>} : memref<64x768xf32, #tpu.memory_space<vmem>>, vector<1x16xf32>,
      %get3A_75 = arith.index_cast %scan3A_20 : i32 to index
      %get3A_76 = arith.constant 64 : index
      %get3A_77 = tpu.vector_load %arg7[%get3A_75, %get3A_76] {strides = array<i32>} : memref<64x768xf32, #tpu.memory_space<vmem>>, vector<1x16xf32>,
      %get3A_78 = vector.shape_cast %get3A_77 : vector<1x16xf32> to vector<16xf32>
      %get3A_79 = arith.index_cast %scan3A_20 : i32 to index
      %get3A_80 = arith.constant 64 : index
      %get3A_81 = tpu.vector_load %arg8[%get3A_79, %get3A_80] {strides = array<i32>} : memref<64x768xf32, #tpu.memory_space<vmem>>, vector<1x16xf32>,
      %get3A_82 = vector.shape_cast %get3A_81 : vector<1x16xf32> to vector<16xf32>
      %add3A_83 = arith.addf %get3A_78, %get3A_82 : vector<16xf32>
      %swap3A_84 = arith.index_cast %scan3A_20 : i32 to index
      %swap3A_85 = arith.constant 64 : index
      %swap3A_86 = tpu.vector_load %arg7[%swap3A_84, %swap3A_85] {strides = array<i32>} : memref<64x768xf32, #tpu.memory_space<vmem>>, vector<1x16xf32>,
      %swap3A_87 = vector.shape_cast %swap3A_86 : vector<1x16xf32> to vector<16xf32>
      %swap3A_88 = vector.shape_cast %add3A_83 : vector<16xf32> to vector<1x16xf32>
      tpu.vector_store %arg7[%swap3A_84, %swap3A_85], %swap3A_88 {strides = array<i32>} : memref<64x768xf32, #tpu.memory_space<vmem>>, vector<1x16xf32>,
      %get3A_89 = arith.index_cast %scan3A_20 : i32 to index
      %get3A_90 = arith.constant 80 : index
      %get3A_91 = tpu.vector_load %arg7[%get3A_89, %get3A_90] {strides = array<i32>} : memref<64x768xf32, #tpu.memory_space<vmem>>, vector<1x16xf32>,
      %get3A_92 = vector.shape_cast %get3A_91 : vector<1x16xf32> to vector<16xf32>
      %get3A_93 = arith.index_cast %scan3A_20 : i32 to index
      %get3A_94 = arith.constant 80 : index
      %get3A_95 = tpu.vector_load %arg8[%get3A_93, %get3A_94] {strides = array<i32>} : memref<64x768xf32, #tpu.memory_space<vmem>>, vector<1x16xf32>,
      %get3A_96 = vector.shape_cast %get3A_95 : vector<1x16xf32> to vector<16xf32>
      %add3A_97 = arith.addf %get3A_92, %get3A_96 : vector<16xf32>
      %swap3A_98 = arith.index_cast %scan3A_20 : i32 to index
      %swap3A_99 = arith.constant 80 : index
      %swap3A_100 = tpu.vector_load %arg7[%swap3A_98, %swap3A_99] {strides = array<i32>} : memref<64x768xf32, #tpu.memory_space<vmem>>, vector<1x16xf32>,
      %swap3A_101 = vector.shape_cast %swap3A_100 : vector<1x16xf32> to vector<16xf32>
      %swap3A_102 = vector.shape_cast %add3A_97 : vector<16xf32> to vector<1x16xf32>
      tpu.vector_store %arg7[%swap3A_98, %swap3A_99], %swap3A_102 {strides = array<i32>} : memref<64x768xf32, #tpu.memory_space<vmem>>, vector<1x16xf32>,
      %get3A_103 = arith.index_cast %scan3A_20 : i32 to index
      %get3A_104 = arith.constant 96 : index
      %get3A_105 = tpu.vector_load %arg7[%get3A_103, %get3A_104] {strides = array<i32>} : memref<64x768xf32, #tpu.memory_space<vmem>>, vector<1x16xf32>,
      %get3A_106 = vector.shape_cast %get3A_105 : vector<1x16xf32> to vector<16xf32>
      %get3A_107 = arith.index_cast %scan3A_20 : i32 to index
      %get3A_108 = arith.constant 96 : index
      %get3A_109 = tpu.vector_load %arg8[%get3A_107, %get3A_108] {strides = array<i32>} : memref<64x768xf32, #tpu.memory_space<vmem>>, vector<1x16xf32>,
      %get3A_110 = vector.shape_cast %get3A_109 : vector<1x16xf32> to vector<16xf32>
      %add3A_111 = arith.addf %get3A_106, %get3A_110 : vector<16xf32>
      %swap3A_112 = arith.index_cast %scan3A_20 : i32 to index
      %swap3A_113 = arith.constant 96 : index
      %swap3A_114 = tpu.vector_load %arg7[%swap3A_112, %swap3A_113] {strides = array<i32>} : memref<64x768xf32, #tpu.memory_space<vmem>>, vector<1x16xf32>,
      %swap3A_115 = vector.shape_cast %swap3A_114 : vector<1x16xf32> to vector<16xf32>
      %swap3A_116 = vector.shape_cast %add3A_111 : vector<16xf32> to vector<1x16xf32>
      tpu.vector_store %arg7[%swap3A_112, %swap3A_113], %swap3A_116 {strides = array<i32>} : memref<64x768xf32, #tpu.memory_space<vmem>>, vector<1x16xf32>,
      %get3A_117 = arith.index_cast %scan3A_20 : i32 to index
      %get3A_118 = arith.constant 112 : index
      %get3A_119 = tpu.vector_load %arg7[%get3A_117, %get3A_118] {strides = array<i32>} : memref<64x768xf32, #tpu.memory_space<vmem>>, vector<1x16xf32>,
      %get3A_120 = vector.shape_cast %get3A_119 : vector<1x16xf32> to vector<16xf32>
      %get3A_121 = arith.index_cast %scan3A_20 : i32 to index
      %get3A_122 = arith.constant 112 : index
      %get3A_123 = tpu.vector_load %arg8[%get3A_121, %get3A_122] {strides = array<i32>} : memref<64x768xf32, #tpu.memory_space<vmem>>, vector<1x16xf32>,
      %get3A_124 = vector.shape_cast %get3A_123 : vector<1x16xf32> to vector<16xf32>
      %add3A_125 = arith.addf %get3A_120, %get3A_124 : vector<16xf32>
      %swap3A_126 = arith.index_cast %scan3A_20 : i32 to index
      %swap3A_127 = arith.constant 112 : index
      %swap3A_128 = tpu.vector_load %arg7[%swap3A_126, %swap3A_127] {strides = array<i32>} : memref<64x768xf32, #tpu.memory_space<vmem>>, vector<1x16xf32>,
      %swap3A_129 = vector.shape_cast %swap3A_128 : vector<1x16xf32> to vector<16xf32>
      %swap3A_130 = vector.shape_cast %add3A_125 : vector<16xf32> to vector<1x16xf32>
      tpu.vector_store %arg7[%swap3A_126, %swap3A_127], %swap3A_130 {strides = array<i32>} : memref<64x768xf32, #tpu.memory_space<vmem>>, vector<1x16xf32>,
      %get3A_131 = arith.index_cast %scan3A_20 : i32 to index
      %get3A_132 = arith.constant 128 : index
      %get3A_133 = tpu.vector_load %arg7[%get3A_131, %get3A_132] {strides = array<i32>} : memref<64x768xf32, #tpu.memory_space<vmem>>, vector<1x16xf32>,
      %get3A_134 = vector.shape_cast %get3A_133 : vector<1x16xf32> to vector<16xf32>
      %get3A_135 = arith.index_cast %scan3A_20 : i32 to index
      %get3A_136 = arith.constant 128 : index
      %get3A_137 = tpu.vector_load %arg8[%get3A_135, %get3A_136] {strides = array<i32>} : memref<64x768xf32, #tpu.memory_space<vmem>>, vector<1x16xf32>,
      %get3A_138 = vector.shape_cast %get3A_137 : vector<1x16xf32> to vector<16xf32>
      %add3A_139 = arith.addf %get3A_134, %get3A_138 : vector<16xf32>
      %swap3A_140 = arith.index_cast %scan3A_20 : i32 to index
      %swap3A_141 = arith.constant 128 : index
      %swap3A_142 = tpu.vector_load %arg7[%swap3A_140, %swap3A_141] {strides = array<i32>} : memref<64x768xf32, #tpu.memory_space<vmem>>, vector<1x16xf32>,
      %swap3A_143 = vector.shape_cast %swap3A_142 : vector<1x16xf32> to vector<16xf32>
      %swap3A_144 = vector.shape_cast %add3A_139 : vector<16xf32> to vector<1x16xf32>
      tpu.vector_store %arg7[%swap3A_140, %swap3A_141], %swap3A_144 {strides = array<i32>} : memref<64x768xf32, #tpu.memory_space<vmem>>, vector<1x16xf32>,
      %get3A_145 = arith.index_cast %scan3A_20 : i32 to index
      %get3A_146 = arith.constant 144 : index
      %get3A_147 = tpu.vector_load %arg7[%get3A_145, %get3A_146] {strides = array<i32>} : memref<64x768xf32, #tpu.memory_space<vmem>>, vector<1x16xf32>,
      %get3A_148 = vector.shape_cast %get3A_147 : vector<1x16xf32> to vector<16xf32>
      %get3A_149 = arith.index_cast %scan3A_20 : i32 to index
      %get3A_150 = arith.constant 144 : index
      %get3A_151 = tpu.vector_load %arg8[%get3A_149, %get3A_150] {strides = array<i32>} : memref<64x768xf32, #tpu.memory_space<vmem>>, vector<1x16xf32>,
      %get3A_152 = vector.shape_cast %get3A_151 : vector<1x16xf32> to vector<16xf32>
      %add3A_153 = arith.addf %get3A_148, %get3A_152 : vector<16xf32>
      %swap3A_154 = arith.index_cast %scan3A_20 : i32 to index
      %swap3A_155 = arith.constant 144 : index
      %swap3A_156 = tpu.vector_load %arg7[%swap3A_154, %swap3A_155] {strides = array<i32>} : memref<64x768xf32, #tpu.memory_space<vmem>>, vector<1x16xf32>,
      %swap3A_157 = vector.shape_cast %swap3A_156 : vector<1x16xf32> to vector<16xf32>
      %swap3A_158 = vector.shape_cast %add3A_153 : vector<16xf32> to vector<1x16xf32>
      tpu.vector_store %arg7[%swap3A_154, %swap3A_155], %swap3A_158 {strides = array<i32>} : memref<64x768xf32, #tpu.memory_space<vmem>>, vector<1x16xf32>,
      %get3A_159 = arith.index_cast %scan3A_20 : i32 to index
      %get3A_160 = arith.constant 160 : index
      %get3A_161 = tpu.vector_load %arg7[%get3A_159, %get3A_160] {strides = array<i32>} : memref<64x768xf32, #tpu.memory_space<vmem>>, vector<1x16xf32>,
      %get3A_162 = vector.shape_cast %get3A_161 : vector<1x16xf32> to vector<16xf32>
      %get3A_163 = arith.index_cast %scan3A_20 : i32 to index
      %get3A_164 = arith.constant 160 : index
      %get3A_165 = tpu.vector_load %arg8[%get3A_163, %get3A_164] {strides = array<i32>} : memref<64x768xf32, #tpu.memory_space<vmem>>, vector<1x16xf32>,
      %get3A_166 = vector.shape_cast %get3A_165 : vector<1x16xf32> to vector<16xf32>
      %add3A_167 = arith.addf %get3A_162, %get3A_166 : vector<16xf32>
      %swap3A_168 = arith.index_cast %scan3A_20 : i32 to index
      %swap3A_169 = arith.constant 160 : index
      %swap3A_170 = tpu.vector_load %arg7[%swap3A_168, %swap3A_169] {strides = array<i32>} : memref<64x768xf32, #tpu.memory_space<vmem>>, vector<1x16xf32>,
      %swap3A_171 = vector.shape_cast %swap3A_170 : vector<1x16xf32> to vector<16xf32>
      %swap3A_172 = vector.shape_cast %add3A_167 : vector<16xf32> to vector<1x16xf32>
      tpu.vector_store %arg7[%swap3A_168, %swap3A_169], %swap3A_172 {strides = array<i32>} : memref<64x768xf32, #tpu.memory_space<vmem>>, vector<1x16xf32>,
      %get3A_173 = arith.index_cast %scan3A_20 : i32 to index
      %get3A_174 = arith.constant 176 : index
      %get3A_175 = tpu.vector_load %arg7[%get3A_173, %get3A_174] {strides = array<i32>} : memref<64x768xf32, #tpu.memory_space<vmem>>, vector<1x16xf32>,
      %get3A_176 = vector.shape_cast %get3A_175 : vector<1x16xf32> to vector<16xf32>
      %get3A_177 = arith.index_cast %scan3A_20 : i32 to index
      %get3A_178 = arith.constant 176 : index
      %get3A_179 = tpu.vector_load %arg8[%get3A_177, %get3A_178] {strides = array<i32>} : memref<64x768xf32, #tpu.memory_space<vmem>>, vector<1x16xf32>,
      %get3A_180 = vector.shape_cast %get3A_179 : vector<1x16xf32> to vector<16xf32>
      %add3A_181 = arith.addf %get3A_176, %get3A_180 : vector<16xf32>
      %swap3A_182 = arith.index_cast %scan3A_20 : i32 to index
      %swap3A_183 = arith.constant 176 : index
      %swap3A_184 = tpu.vector_load %arg7[%swap3A_182, %swap3A_183] {strides = array<i32>} : memref<64x768xf32, #tpu.memory_space<vmem>>, vector<1x16xf32>,
      %swap3A_185 = vector.shape_cast %swap3A_184 : vector<1x16xf32> to vector<16xf32>
      %swap3A_186 = vector.shape_cast %add3A_181 : vector<16xf32> to vector<1x16xf32>
      tpu.vector_store %arg7[%swap3A_182, %swap3A_183], %swap3A_186 {strides = array<i32>} : memref<64x768xf32, #tpu.memory_space<vmem>>, vector<1x16xf32>,
      %get3A_187 = arith.index_cast %scan3A_20 : i32 to index
      %get3A_188 = arith.constant 192 : index
      %get3A_189 = tpu.vector_load %arg7[%get3A_187, %get3A_188] {strides = array<i32>} : memref<64x768xf32, #tpu.memory_space<vmem>>, vector<1x16xf32>,
      %get3A_190 = vector.shape_cast %get3A_189 : vector<1x16xf32> to vector<16xf32>
      %get3A_191 = arith.index_cast %scan3A_20 : i32 to index
      %get3A_192 = arith.constant 192 : index
      %get3A_193 = tpu.vector_load %arg8[%get3A_191, %get3A_192] {strides = array<i32>} : memref<64x768xf32, #tpu.memory_space<vmem>>, vector<1x16xf32>,
      %get3A_194 = vector.shape_cast %get3A_193 : vector<1x16xf32> to vector<16xf32>
      %add3A_195 = arith.addf %get3A_190, %get3A_194 : vector<16xf32>
      %swap3A_196 = arith.index_cast %scan3A_20 : i32 to index
      %swap3A_197 = arith.constant 192 : index
      %swap3A_198 = tpu.vector_load %arg7[%swap3A_196, %swap3A_197] {strides = array<i32>} : memref<64x768xf32, #tpu.memory_space<vmem>>, vector<1x16xf32>,
      %swap3A_199 = vector.shape_cast %swap3A_198 : vector<1x16xf32> to vector<16xf32>
      %swap3A_200 = vector.shape_cast %add3A_195 : vector<16xf32> to vector<1x16xf32>
      tpu.vector_store %arg7[%swap3A_196, %swap3A_197], %swap3A_200 {strides = array<i32>} : memref<64x768xf32, #tpu.memory_space<vmem>>, vector<1x16xf32>,
      %get3A_201 = arith.index_cast %scan3A_20 : i32 to index
      %get3A_202 = arith.constant 208 : index
      %get3A_203 = tpu.vector_load %arg7[%get3A_201, %get3A_202] {strides = array<i32>} : memref<64x768xf32, #tpu.memory_space<vmem>>, vector<1x16xf32>,
      %get3A_204 = vector.shape_cast %get3A_203 : vector<1x16xf32> to vector<16xf32>
      %get3A_205 = arith.index_cast %scan3A_20 : i32 to index
      %get3A_206 = arith.constant 208 : index
      %get3A_207 = tpu.vector_load %arg8[%get3A_205, %get3A_206] {strides = array<i32>} : memref<64x768xf32, #tpu.memory_space<vmem>>, vector<1x16xf32>,
      %get3A_208 = vector.shape_cast %get3A_207 : vector<1x16xf32> to vector<16xf32>
      %add3A_209 = arith.addf %get3A_204, %get3A_208 : vector<16xf32>
      %swap3A_210 = arith.index_cast %scan3A_20 : i32 to index
      %swap3A_211 = arith.constant 208 : index
      %swap3A_212 = tpu.vector_load %arg7[%swap3A_210, %swap3A_211] {strides = array<i32>} : memref<64x768xf32, #tpu.memory_space<vmem>>, vector<1x16xf32>,
      %swap3A_213 = vector.shape_cast %swap3A_212 : vector<1x16xf32> to vector<16xf32>
      %swap3A_214 = vector.shape_cast %add3A_209 : vector<16xf32> to vector<1x16xf32>
      tpu.vector_store %arg7[%swap3A_210, %swap3A_211], %swap3A_214 {strides = array<i32>} : memref<64x768xf32, #tpu.memory_space<vmem>>, vector<1x16xf32>,
      %get3A_215 = arith.index_cast %scan3A_20 : i32 to index
      %get3A_216 = arith.constant 224 : index
      %get3A_217 = tpu.vector_load %arg7[%get3A_215, %get3A_216] {strides = array<i32>} : memref<64x768xf32, #tpu.memory_space<vmem>>, vector<1x16xf32>,
      %get3A_218 = vector.shape_cast %get3A_217 : vector<1x16xf32> to vector<16xf32>
      %get3A_219 = arith.index_cast %scan3A_20 : i32 to index
      %get3A_220 = arith.constant 224 : index
      %get3A_221 = tpu.vector_load %arg8[%get3A_219, %get3A_220] {strides = array<i32>} : memref<64x768xf32, #tpu.memory_space<vmem>>, vector<1x16xf32>,
      %get3A_222 = vector.shape_cast %get3A_221 : vector<1x16xf32> to vector<16xf32>
      %add3A_223 = arith.addf %get3A_218, %get3A_222 : vector<16xf32>
      %swap3A_224 = arith.index_cast %scan3A_20 : i32 to index
      %swap3A_225 = arith.constant 224 : index
      %swap3A_226 = tpu.vector_load %arg7[%swap3A_224, %swap3A_225] {strides = array<i32>} : memref<64x768xf32, #tpu.memory_space<vmem>>, vector<1x16xf32>,
      %swap3A_227 = vector.shape_cast %swap3A_226 : vector<1x16xf32> to vector<16xf32>
      %swap3A_228 = vector.shape_cast %add3A_223 : vector<16xf32> to vector<1x16xf32>
      tpu.vector_store %arg7[%swap3A_224, %swap3A_225], %swap3A_228 {strides = array<i32>} : memref<64x768xf32, #tpu.memory_space<vmem>>, vector<1x16xf32>,
      %get3A_229 = arith.index_cast %scan3A_20 : i32 to index
      %get3A_230 = arith.constant 240 : index
      %get3A_231 = tpu.vector_load %arg7[%get3A_229, %get3A_230] {strides = array<i32>} : memref<64x768xf32, #tpu.memory_space<vmem>>, vector<1x16xf32>,
      %get3A_232 = vector.shape_cast %get3A_231 : vector<1x16xf32> to vector<16xf32>
      %get3A_233 = arith.index_cast %scan3A_20 : i32 to index
      %get3A_234 = arith.constant 240 : index
      %get3A_235 = tpu.vector_load %arg8[%get3A_233, %get3A_234] {strides = array<i32>} : memref<64x768xf32, #tpu.memory_space<vmem>>, vector<1x16xf32>,
      %get3A_236 = vector.shape_cast %get3A_235 : vector<1x16xf32> to vector<16xf32>
      %add3A_237 = arith.addf %get3A_232, %get3A_236 : vector<16xf32>
      %swap3A_238 = arith.index_cast %scan3A_20 : i32 to index
      %swap3A_239 = arith.constant 240 : index
      %swap3A_240 = tpu.vector_load %arg7[%swap3A_238, %swap3A_239] {strides = array<i32>} : memref<64x768xf32, #tpu.memory_space<vmem>>, vector<1x16xf32>,
      %swap3A_241 = vector.shape_cast %swap3A_240 : vector<1x16xf32> to vector<16xf32>
      %swap3A_242 = vector.shape_cast %add3A_237 : vector<16xf32> to vector<1x16xf32>
      tpu.vector_store %arg7[%swap3A_238, %swap3A_239], %swap3A_242 {strides = array<i32>} : memref<64x768xf32, #tpu.memory_space<vmem>>, vector<1x16xf32>,
      %get3A_243 = arith.index_cast %scan3A_20 : i32 to index
      %get3A_244 = arith.constant 256 : index
      %get3A_245 = tpu.vector_load %arg7[%get3A_243, %get3A_244] {strides = array<i32>} : memref<64x768xf32, #tpu.memory_space<vmem>>, vector<1x16xf32>,
      %get3A_246 = vector.shape_cast %get3A_245 : vector<1x16xf32> to vector<16xf32>
      %get3A_247 = arith.index_cast %scan3A_20 : i32 to index
      %get3A_248 = arith.constant 256 : index
      %get3A_249 = tpu.vector_load %arg8[%get3A_247, %get3A_248] {strides = array<i32>} : memref<64x768xf32, #tpu.memory_space<vmem>>, vector<1x16xf32>,
      %get3A_250 = vector.shape_cast %get3A_249 : vector<1x16xf32> to vector<16xf32>
      %add3A_251 = arith.addf %get3A_246, %get3A_250 : vector<16xf32>
      %swap3A_252 = arith.index_cast %scan3A_20 : i32 to index
      %swap3A_253 = arith.constant 256 : index
      %swap3A_254 = tpu.vector_load %arg7[%swap3A_252, %swap3A_253] {strides = array<i32>} : memref<64x768xf32, #tpu.memory_space<vmem>>, vector<1x16xf32>,
      %swap3A_255 = vector.shape_cast %swap3A_254 : vector<1x16xf32> to vector<16xf32>
      %swap3A_256 = vector.shape_cast %add3A_251 : vector<16xf32> to vector<1x16xf32>
      tpu.vector_store %arg7[%swap3A_252, %swap3A_253], %swap3A_256 {strides = array<i32>} : memref<64x768xf32, #tpu.memory_space<vmem>>, vector<1x16xf32>,
      %get3A_257 = arith.index_cast %scan3A_20 : i32 to index
      %get3A_258 = arith.constant 272 : index
      %get3A_259 = tpu.vector_load %arg7[%get3A_257, %get3A_258] {strides = array<i32>} : memref<64x768xf32, #tpu.memory_space<vmem>>, vector<1x16xf32>,
      %get3A_260 = vector.shape_cast %get3A_259 : vector<1x16xf32> to vector<16xf32>
      %get3A_261 = arith.index_cast %scan3A_20 : i32 to index
      %get3A_262 = arith.constant 272 : index
      %get3A_263 = tpu.vector_load %arg8[%get3A_261, %get3A_262] {strides = array<i32>} : memref<64x768xf32, #tpu.memory_space<vmem>>, vector<1x16xf32>,
      %get3A_264 = vector.shape_cast %get3A_263 : vector<1x16xf32> to vector<16xf32>
      %add3A_265 = arith.addf %get3A_260, %get3A_264 : vector<16xf32>
      %swap3A_266 = arith.index_cast %scan3A_20 : i32 to index
      %swap3A_267 = arith.constant 272 : index
      %swap3A_268 = tpu.vector_load %arg7[%swap3A_266, %swap3A_267] {strides = array<i32>} : memref<64x768xf32, #tpu.memory_space<vmem>>, vector<1x16xf32>,
      %swap3A_269 = vector.shape_cast %swap3A_268 : vector<1x16xf32> to vector<16xf32>
      %swap3A_270 = vector.shape_cast %add3A_265 : vector<16xf32> to vector<1x16xf32>
      tpu.vector_store %arg7[%swap3A_266, %swap3A_267], %swap3A_270 {strides = array<i32>} : memref<64x768xf32, #tpu.memory_space<vmem>>, vector<1x16xf32>,
      %get3A_271 = arith.index_cast %scan3A_20 : i32 to index
      %get3A_272 = arith.constant 288 : index
      %get3A_273 = tpu.vector_load %arg7[%get3A_271, %get3A_272] {strides = array<i32>} : memref<64x768xf32, #tpu.memory_space<vmem>>, vector<1x16xf32>,
      %get3A_274 = vector.shape_cast %get3A_273 : vector<1x16xf32> to vector<16xf32>
      %get3A_275 = arith.index_cast %scan3A_20 : i32 to index
      %get3A_276 = arith.constant 288 : index
      %get3A_277 = tpu.vector_load %arg8[%get3A_275, %get3A_276] {strides = array<i32>} : memref<64x768xf32, #tpu.memory_space<vmem>>, vector<1x16xf32>,
      %get3A_278 = vector.shape_cast %get3A_277 : vector<1x16xf32> to vector<16xf32>
      %add3A_279 = arith.addf %get3A_274, %get3A_278 : vector<16xf32>
      %swap3A_280 = arith.index_cast %scan3A_20 : i32 to index
      %swap3A_281 = arith.constant 288 : index
      %swap3A_282 = tpu.vector_load %arg7[%swap3A_280, %swap3A_281] {strides = array<i32>} : memref<64x768xf32, #tpu.memory_space<vmem>>, vector<1x16xf32>,
      %swap3A_283 = vector.shape_cast %swap3A_282 : vector<1x16xf32> to vector<16xf32>
      %swap3A_284 = vector.shape_cast %add3A_279 : vector<16xf32> to vector<1x16xf32>
      tpu.vector_store %arg7[%swap3A_280, %swap3A_281], %swap3A_284 {strides = array<i32>} : memref<64x768xf32, #tpu.memory_space<vmem>>, vector<1x16xf32>,
      %get3A_285 = arith.index_cast %scan3A_20 : i32 to index
      %get3A_286 = arith.constant 304 : index
      %get3A_287 = tpu.vector_load %arg7[%get3A_285, %get3A_286] {strides = array<i32>} : memref<64x768xf32, #tpu.memory_space<vmem>>, vector<1x16xf32>,
      %get3A_288 = vector.shape_cast %get3A_287 : vector<1x16xf32> to vector<16xf32>
      %get3A_289 = arith.index_cast %scan3A_20 : i32 to index
      %get3A_290 = arith.constant 304 : index
      %get3A_291 = tpu.vector_load %arg8[%get3A_289, %get3A_290] {strides = array<i32>} : memref<64x768xf32, #tpu.memory_space<vmem>>, vector<1x16xf32>,
      %get3A_292 = vector.shape_cast %get3A_291 : vector<1x16xf32> to vector<16xf32>
      %add3A_293 = arith.addf %get3A_288, %get3A_292 : vector<16xf32>
      %swap3A_294 = arith.index_cast %scan3A_20 : i32 to index
      %swap3A_295 = arith.constant 304 : index
      %swap3A_296 = tpu.vector_load %arg7[%swap3A_294, %swap3A_295] {strides = array<i32>} : memref<64x768xf32, #tpu.memory_space<vmem>>, vector<1x16xf32>,
      %swap3A_297 = vector.shape_cast %swap3A_296 : vector<1x16xf32> to vector<16xf32>
      %swap3A_298 = vector.shape_cast %add3A_293 : vector<16xf32> to vector<1x16xf32>
      tpu.vector_store %arg7[%swap3A_294, %swap3A_295], %swap3A_298 {strides = array<i32>} : memref<64x768xf32, #tpu.memory_space<vmem>>, vector<1x16xf32>,
      %get3A_299 = arith.index_cast %scan3A_20 : i32 to index
      %get3A_300 = arith.constant 320 : index
      %get3A_301 = tpu.vector_load %arg7[%get3A_299, %get3A_300] {strides = array<i32>} : memref<64x768xf32, #tpu.memory_space<vmem>>, vector<1x16xf32>,
      %get3A_302 = vector.shape_cast %get3A_301 : vector<1x16xf32> to vector<16xf32>
      %get3A_303 = arith.index_cast %scan3A_20 : i32 to index
      %get3A_304 = arith.constant 320 : index
      %get3A_305 = tpu.vector_load %arg8[%get3A_303, %get3A_304] {strides = array<i32>} : memref<64x768xf32, #tpu.memory_space<vmem>>, vector<1x16xf32>,
      %get3A_306 = vector.shape_cast %get3A_305 : vector<1x16xf32> to vector<16xf32>
      %add3A_307 = arith.addf %get3A_302, %get3A_306 : vector<16xf32>
      %swap3A_308 = arith.index_cast %scan3A_20 : i32 to index
      %swap3A_309 = arith.constant 320 : index
      %swap3A_310 = tpu.vector_load %arg7[%swap3A_308, %swap3A_309] {strides = array<i32>} : memref<64x768xf32, #tpu.memory_space<vmem>>, vector<1x16xf32>,
      %swap3A_311 = vector.shape_cast %swap3A_310 : vector<1x16xf32> to vector<16xf32>
      %swap3A_312 = vector.shape_cast %add3A_307 : vector<16xf32> to vector<1x16xf32>
      tpu.vector_store %arg7[%swap3A_308, %swap3A_309], %swap3A_312 {strides = array<i32>} : memref<64x768xf32, #tpu.memory_space<vmem>>, vector<1x16xf32>,
      %get3A_313 = arith.index_cast %scan3A_20 : i32 to index
      %get3A_314 = arith.constant 336 : index
      %get3A_315 = tpu.vector_load %arg7[%get3A_313, %get3A_314] {strides = array<i32>} : memref<64x768xf32, #tpu.memory_space<vmem>>, vector<1x16xf32>,
      %get3A_316 = vector.shape_cast %get3A_315 : vector<1x16xf32> to vector<16xf32>
      %get3A_317 = arith.index_cast %scan3A_20 : i32 to index
      %get3A_318 = arith.constant 336 : index
      %get3A_319 = tpu.vector_load %arg8[%get3A_317, %get3A_318] {strides = array<i32>} : memref<64x768xf32, #tpu.memory_space<vmem>>, vector<1x16xf32>,
      %get3A_320 = vector.shape_cast %get3A_319 : vector<1x16xf32> to vector<16xf32>
      %add3A_321 = arith.addf %get3A_316, %get3A_320 : vector<16xf32>
      %swap3A_322 = arith.index_cast %scan3A_20 : i32 to index
      %swap3A_323 = arith.constant 336 : index
      %swap3A_324 = tpu.vector_load %arg7[%swap3A_322, %swap3A_323] {strides = array<i32>} : memref<64x768xf32, #tpu.memory_space<vmem>>, vector<1x16xf32>,
      %swap3A_325 = vector.shape_cast %swap3A_324 : vector<1x16xf32> to vector<16xf32>
      %swap3A_326 = vector.shape_cast %add3A_321 : vector<16xf32> to vector<1x16xf32>
      tpu.vector_store %arg7[%swap3A_322, %swap3A_323], %swap3A_326 {strides = array<i32>} : memref<64x768xf32, #tpu.memory_space<vmem>>, vector<1x16xf32>,
      %get3A_327 = arith.index_cast %scan3A_20 : i32 to index
      %get3A_328 = arith.constant 352 : index
      %get3A_329 = tpu.vector_load %arg7[%get3A_327, %get3A_328] {strides = array<i32>} : memref<64x768xf32, #tpu.memory_space<vmem>>, vector<1x16xf32>,
      %get3A_330 = vector.shape_cast %get3A_329 : vector<1x16xf32> to vector<16xf32>
      %get3A_331 = arith.index_cast %scan3A_20 : i32 to index
      %get3A_332 = arith.constant 352 : index
      %get3A_333 = tpu.vector_load %arg8[%get3A_331, %get3A_332] {strides = array<i32>} : memref<64x768xf32, #tpu.memory_space<vmem>>, vector<1x16xf32>,
      %get3A_334 = vector.shape_cast %get3A_333 : vector<1x16xf32> to vector<16xf32>
      %add3A_335 = arith.addf %get3A_330, %get3A_334 : vector<16xf32>
      %swap3A_336 = arith.index_cast %scan3A_20 : i32 to index
      %swap3A_337 = arith.constant 352 : index
      %swap3A_338 = tpu.vector_load %arg7[%swap3A_336, %swap3A_337] {strides = array<i32>} : memref<64x768xf32, #tpu.memory_space<vmem>>, vector<1x16xf32>,
      %swap3A_339 = vector.shape_cast %swap3A_338 : vector<1x16xf32> to vector<16xf32>
      %swap3A_340 = vector.shape_cast %add3A_335 : vector<16xf32> to vector<1x16xf32>
      tpu.vector_store %arg7[%swap3A_336, %swap3A_337], %swap3A_340 {strides = array<i32>} : memref<64x768xf32, #tpu.memory_space<vmem>>, vector<1x16xf32>,
      %get3A_341 = arith.index_cast %scan3A_20 : i32 to index
      %get3A_342 = arith.constant 368 : index
      %get3A_343 = tpu.vector_load %arg7[%get3A_341, %get3A_342] {strides = array<i32>} : memref<64x768xf32, #tpu.memory_space<vmem>>, vector<1x16xf32>,
      %get3A_344 = vector.shape_cast %get3A_343 : vector<1x16xf32> to vector<16xf32>
      %get3A_345 = arith.index_cast %scan3A_20 : i32 to index
      %get3A_346 = arith.constant 368 : index
      %get3A_347 = tpu.vector_load %arg8[%get3A_345, %get3A_346] {strides = array<i32>} : memref<64x768xf32, #tpu.memory_space<vmem>>, vector<1x16xf32>,
      %get3A_348 = vector.shape_cast %get3A_347 : vector<1x16xf32> to vector<16xf32>
      %add3A_349 = arith.addf %get3A_344, %get3A_348 : vector<16xf32>
      %swap3A_350 = arith.index_cast %scan3A_20 : i32 to index
      %swap3A_351 = arith.constant 368 : index
      %swap3A_352 = tpu.vector_load %arg7[%swap3A_350, %swap3A_351] {strides = array<i32>} : memref<64x768xf32, #tpu.memory_space<vmem>>, vector<1x16xf32>,
      %swap3A_353 = vector.shape_cast %swap3A_352 : vector<1x16xf32> to vector<16xf32>
      %swap3A_354 = vector.shape_cast %add3A_349 : vector<16xf32> to vector<1x16xf32>
      tpu.vector_store %arg7[%swap3A_350, %swap3A_351], %swap3A_354 {strides = array<i32>} : memref<64x768xf32, #tpu.memory_space<vmem>>, vector<1x16xf32>,
      %get3A_355 = arith.index_cast %scan3A_20 : i32 to index
      %get3A_356 = arith.constant 384 : index
      %get3A_357 = tpu.vector_load %arg7[%get3A_355, %get3A_356] {strides = array<i32>} : memref<64x768xf32, #tpu.memory_space<vmem>>, vector<1x16xf32>,
      %get3A_358 = vector.shape_cast %get3A_357 : vector<1x16xf32> to vector<16xf32>
      %get3A_359 = arith.index_cast %scan3A_20 : i32 to index
      %get3A_360 = arith.constant 384 : index
      %get3A_361 = tpu.vector_load %arg8[%get3A_359, %get3A_360] {strides = array<i32>} : memref<64x768xf32, #tpu.memory_space<vmem>>, vector<1x16xf32>,
      %get3A_362 = vector.shape_cast %get3A_361 : vector<1x16xf32> to vector<16xf32>
      %add3A_363 = arith.addf %get3A_358, %get3A_362 : vector<16xf32>
      %swap3A_364 = arith.index_cast %scan3A_20 : i32 to index
      %swap3A_365 = arith.constant 384 : index
      %swap3A_366 = tpu.vector_load %arg7[%swap3A_364, %swap3A_365] {strides = array<i32>} : memref<64x768xf32, #tpu.memory_space<vmem>>, vector<1x16xf32>,
      %swap3A_367 = vector.shape_cast %swap3A_366 : vector<1x16xf32> to vector<16xf32>
      %swap3A_368 = vector.shape_cast %add3A_363 : vector<16xf32> to vector<1x16xf32>
      tpu.vector_store %arg7[%swap3A_364, %swap3A_365], %swap3A_368 {strides = array<i32>} : memref<64x768xf32, #tpu.memory_space<vmem>>, vector<1x16xf32>,
      %get3A_369 = arith.index_cast %scan3A_20 : i32 to index
      %get3A_370 = arith.constant 400 : index
      %get3A_371 = tpu.vector_load %arg7[%get3A_369, %get3A_370] {strides = array<i32>} : memref<64x768xf32, #tpu.memory_space<vmem>>, vector<1x16xf32>,
      %get3A_372 = vector.shape_cast %get3A_371 : vector<1x16xf32> to vector<16xf32>
      %get3A_373 = arith.index_cast %scan3A_20 : i32 to index
      %get3A_374 = arith.constant 400 : index
      %get3A_375 = tpu.vector_load %arg8[%get3A_373, %get3A_374] {strides = array<i32>} : memref<64x768xf32, #tpu.memory_space<vmem>>, vector<1x16xf32>,
      %get3A_376 = vector.shape_cast %get3A_375 : vector<1x16xf32> to vector<16xf32>
      %add3A_377 = arith.addf %get3A_372, %get3A_376 : vector<16xf32>
      %swap3A_378 = arith.index_cast %scan3A_20 : i32 to index
      %swap3A_379 = arith.constant 400 : index
      %swap3A_380 = tpu.vector_load %arg7[%swap3A_378, %swap3A_379] {strides = array<i32>} : memref<64x768xf32, #tpu.memory_space<vmem>>, vector<1x16xf32>,
      %swap3A_381 = vector.shape_cast %swap3A_380 : vector<1x16xf32> to vector<16xf32>
      %swap3A_382 = vector.shape_cast %add3A_377 : vector<16xf32> to vector<1x16xf32>
      tpu.vector_store %arg7[%swap3A_378, %swap3A_379], %swap3A_382 {strides = array<i32>} : memref<64x768xf32, #tpu.memory_space<vmem>>, vector<1x16xf32>,
      %get3A_383 = arith.index_cast %scan3A_20 : i32 to index
      %get3A_384 = arith.constant 416 : index
      %get3A_385 = tpu.vector_load %arg7[%get3A_383, %get3A_384] {strides = array<i32>} : memref<64x768xf32, #tpu.memory_space<vmem>>, vector<1x16xf32>,
      %get3A_386 = vector.shape_cast %get3A_385 : vector<1x16xf32> to vector<16xf32>
      %get3A_387 = arith.index_cast %scan3A_20 : i32 to index
      %get3A_388 = arith.constant 416 : index
      %get3A_389 = tpu.vector_load %arg8[%get3A_387, %get3A_388] {strides = array<i32>} : memref<64x768xf32, #tpu.memory_space<vmem>>, vector<1x16xf32>,
      %get3A_390 = vector.shape_cast %get3A_389 : vector<1x16xf32> to vector<16xf32>
      %add3A_391 = arith.addf %get3A_386, %get3A_390 : vector<16xf32>
      %swap3A_392 = arith.index_cast %scan3A_20 : i32 to index
      %swap3A_393 = arith.constant 416 : index
      %swap3A_394 = tpu.vector_load %arg7[%swap3A_392, %swap3A_393] {strides = array<i32>} : memref<64x768xf32, #tpu.memory_space<vmem>>, vector<1x16xf32>,
      %swap3A_395 = vector.shape_cast %swap3A_394 : vector<1x16xf32> to vector<16xf32>
      %swap3A_396 = vector.shape_cast %add3A_391 : vector<16xf32> to vector<1x16xf32>
      tpu.vector_store %arg7[%swap3A_392, %swap3A_393], %swap3A_396 {strides = array<i32>} : memref<64x768xf32, #tpu.memory_space<vmem>>, vector<1x16xf32>,
      %get3A_397 = arith.index_cast %scan3A_20 : i32 to index
      %get3A_398 = arith.constant 432 : index
      %get3A_399 = tpu.vector_load %arg7[%get3A_397, %get3A_398] {strides = array<i32>} : memref<64x768xf32, #tpu.memory_space<vmem>>, vector<1x16xf32>,
      %get3A_400 = vector.shape_cast %get3A_399 : vector<1x16xf32> to vector<16xf32>
      %get3A_401 = arith.index_cast %scan3A_20 : i32 to index
      %get3A_402 = arith.constant 432 : index
      %get3A_403 = tpu.vector_load %arg8[%get3A_401, %get3A_402] {strides = array<i32>} : memref<64x768xf32, #tpu.memory_space<vmem>>, vector<1x16xf32>,
      %get3A_404 = vector.shape_cast %get3A_403 : vector<1x16xf32> to vector<16xf32>
      %add3A_405 = arith.addf %get3A_400, %get3A_404 : vector<16xf32>
      %swap3A_406 = arith.index_cast %scan3A_20 : i32 to index
      %swap3A_407 = arith.constant 432 : index
      %swap3A_408 = tpu.vector_load %arg7[%swap3A_406, %swap3A_407] {strides = array<i32>} : memref<64x768xf32, #tpu.memory_space<vmem>>, vector<1x16xf32>,
      %swap3A_409 = vector.shape_cast %swap3A_408 : vector<1x16xf32> to vector<16xf32>
      %swap3A_410 = vector.shape_cast %add3A_405 : vector<16xf32> to vector<1x16xf32>
      tpu.vector_store %arg7[%swap3A_406, %swap3A_407], %swap3A_410 {strides = array<i32>} : memref<64x768xf32, #tpu.memory_space<vmem>>, vector<1x16xf32>,
      %get3A_411 = arith.index_cast %scan3A_20 : i32 to index
      %get3A_412 = arith.constant 448 : index
      %get3A_413 = tpu.vector_load %arg7[%get3A_411, %get3A_412] {strides = array<i32>} : memref<64x768xf32, #tpu.memory_space<vmem>>, vector<1x16xf32>,
      %get3A_414 = vector.shape_cast %get3A_413 : vector<1x16xf32> to vector<16xf32>
      %get3A_415 = arith.index_cast %scan3A_20 : i32 to index
      %get3A_416 = arith.constant 448 : index
      %get3A_417 = tpu.vector_load %arg8[%get3A_415, %get3A_416] {strides = array<i32>} : memref<64x768xf32, #tpu.memory_space<vmem>>, vector<1x16xf32>,
      %get3A_418 = vector.shape_cast %get3A_417 : vector<1x16xf32> to vector<16xf32>
      %add3A_419 = arith.addf %get3A_414, %get3A_418 : vector<16xf32>
      %swap3A_420 = arith.index_cast %scan3A_20 : i32 to index
      %swap3A_421 = arith.constant 448 : index
      %swap3A_422 = tpu.vector_load %arg7[%swap3A_420, %swap3A_421] {strides = array<i32>} : memref<64x768xf32, #tpu.memory_space<vmem>>, vector<1x16xf32>,
      %swap3A_423 = vector.shape_cast %swap3A_422 : vector<1x16xf32> to vector<16xf32>
      %swap3A_424 = vector.shape_cast %add3A_419 : vector<16xf32> to vector<1x16xf32>
      tpu.vector_store %arg7[%swap3A_420, %swap3A_421], %swap3A_424 {strides = array<i32>} : memref<64x768xf32, #tpu.memory_space<vmem>>, vector<1x16xf32>,
      %get3A_425 = arith.index_cast %scan3A_20 : i32 to index
      %get3A_426 = arith.constant 464 : index
      %get3A_427 = tpu.vector_load %arg7[%get3A_425, %get3A_426] {strides = array<i32>} : memref<64x768xf32, #tpu.memory_space<vmem>>, vector<1x16xf32>,
      %get3A_428 = vector.shape_cast %get3A_427 : vector<1x16xf32> to vector<16xf32>
      %get3A_429 = arith.index_cast %scan3A_20 : i32 to index
      %get3A_430 = arith.constant 464 : index
      %get3A_431 = tpu.vector_load %arg8[%get3A_429, %get3A_430] {strides = array<i32>} : memref<64x768xf32, #tpu.memory_space<vmem>>, vector<1x16xf32>,
      %get3A_432 = vector.shape_cast %get3A_431 : vector<1x16xf32> to vector<16xf32>
      %add3A_433 = arith.addf %get3A_428, %get3A_432 : vector<16xf32>
      %swap3A_434 = arith.index_cast %scan3A_20 : i32 to index
      %swap3A_435 = arith.constant 464 : index
      %swap3A_436 = tpu.vector_load %arg7[%swap3A_434, %swap3A_435] {strides = array<i32>} : memref<64x768xf32, #tpu.memory_space<vmem>>, vector<1x16xf32>,
      %swap3A_437 = vector.shape_cast %swap3A_436 : vector<1x16xf32> to vector<16xf32>
      %swap3A_438 = vector.shape_cast %add3A_433 : vector<16xf32> to vector<1x16xf32>
      tpu.vector_store %arg7[%swap3A_434, %swap3A_435], %swap3A_438 {strides = array<i32>} : memref<64x768xf32, #tpu.memory_space<vmem>>, vector<1x16xf32>,
      %get3A_439 = arith.index_cast %scan3A_20 : i32 to index
      %get3A_440 = arith.constant 480 : index
      %get3A_441 = tpu.vector_load %arg7[%get3A_439, %get3A_440] {strides = array<i32>} : memref<64x768xf32, #tpu.memory_space<vmem>>, vector<1x16xf32>,
      %get3A_442 = vector.shape_cast %get3A_441 : vector<1x16xf32> to vector<16xf32>
      %get3A_443 = arith.index_cast %scan3A_20 : i32 to index
      %get3A_444 = arith.constant 480 : index
      %get3A_445 = tpu.vector_load %arg8[%get3A_443, %get3A_444] {strides = array<i32>} : memref<64x768xf32, #tpu.memory_space<vmem>>, vector<1x16xf32>,
      %get3A_446 = vector.shape_cast %get3A_445 : vector<1x16xf32> to vector<16xf32>
      %add3A_447 = arith.addf %get3A_442, %get3A_446 : vector<16xf32>
      %swap3A_448 = arith.index_cast %scan3A_20 : i32 to index
      %swap3A_449 = arith.constant 480 : index
      %swap3A_450 = tpu.vector_load %arg7[%swap3A_448, %swap3A_449] {strides = array<i32>} : memref<64x768xf32, #tpu.memory_space<vmem>>, vector<1x16xf32>,
      %swap3A_451 = vector.shape_cast %swap3A_450 : vector<1x16xf32> to vector<16xf32>
      %swap3A_452 = vector.shape_cast %add3A_447 : vector<16xf32> to vector<1x16xf32>
      tpu.vector_store %arg7[%swap3A_448, %swap3A_449], %swap3A_452 {strides = array<i32>} : memref<64x768xf32, #tpu.memory_space<vmem>>, vector<1x16xf32>,
      %get3A_453 = arith.index_cast %scan3A_20 : i32 to index
      %get3A_454 = arith.constant 496 : index
      %get3A_455 = tpu.vector_load %arg7[%get3A_453, %get3A_454] {strides = array<i32>} : memref<64x768xf32, #tpu.memory_space<vmem>>, vector<1x16xf32>,
      %get3A_456 = vector.shape_cast %get3A_455 : vector<1x16xf32> to vector<16xf32>
      %get3A_457 = arith.index_cast %scan3A_20 : i32 to index
      %get3A_458 = arith.constant 496 : index
      %get3A_459 = tpu.vector_load %arg8[%get3A_457, %get3A_458] {strides = array<i32>} : memref<64x768xf32, #tpu.memory_space<vmem>>, vector<1x16xf32>,
      %get3A_460 = vector.shape_cast %get3A_459 : vector<1x16xf32> to vector<16xf32>
      %add3A_461 = arith.addf %get3A_456, %get3A_460 : vector<16xf32>
      %swap3A_462 = arith.index_cast %scan3A_20 : i32 to index
      %swap3A_463 = arith.constant 496 : index
      %swap3A_464 = tpu.vector_load %arg7[%swap3A_462, %swap3A_463] {strides = array<i32>} : memref<64x768xf32, #tpu.memory_space<vmem>>, vector<1x16xf32>,
      %swap3A_465 = vector.shape_cast %swap3A_464 : vector<1x16xf32> to vector<16xf32>
      %swap3A_466 = vector.shape_cast %add3A_461 : vector<16xf32> to vector<1x16xf32>
      tpu.vector_store %arg7[%swap3A_462, %swap3A_463], %swap3A_466 {strides = array<i32>} : memref<64x768xf32, #tpu.memory_space<vmem>>, vector<1x16xf32>,
      %get3A_467 = arith.index_cast %scan3A_20 : i32 to index
      %get3A_468 = arith.constant 512 : index
      %get3A_469 = tpu.vector_load %arg7[%get3A_467, %get3A_468] {strides = array<i32>} : memref<64x768xf32, #tpu.memory_space<vmem>>, vector<1x16xf32>,
      %get3A_470 = vector.shape_cast %get3A_469 : vector<1x16xf32> to vector<16xf32>
      %get3A_471 = arith.index_cast %scan3A_20 : i32 to index
      %get3A_472 = arith.constant 512 : index
      %get3A_473 = tpu.vector_load %arg8[%get3A_471, %get3A_472] {strides = array<i32>} : memref<64x768xf32, #tpu.memory_space<vmem>>, vector<1x16xf32>,
      %get3A_474 = vector.shape_cast %get3A_473 : vector<1x16xf32> to vector<16xf32>
      %add3A_475 = arith.addf %get3A_470, %get3A_474 : vector<16xf32>
      %swap3A_476 = arith.index_cast %scan3A_20 : i32 to index
      %swap3A_477 = arith.constant 512 : index
      %swap3A_478 = tpu.vector_load %arg7[%swap3A_476, %swap3A_477] {strides = array<i32>} : memref<64x768xf32, #tpu.memory_space<vmem>>, vector<1x16xf32>,
      %swap3A_479 = vector.shape_cast %swap3A_478 : vector<1x16xf32> to vector<16xf32>
      %swap3A_480 = vector.shape_cast %add3A_475 : vector<16xf32> to vector<1x16xf32>
      tpu.vector_store %arg7[%swap3A_476, %swap3A_477], %swap3A_480 {strides = array<i32>} : memref<64x768xf32, #tpu.memory_space<vmem>>, vector<1x16xf32>,
      %get3A_481 = arith.index_cast %scan3A_20 : i32 to index
      %get3A_482 = arith.constant 528 : index
      %get3A_483 = tpu.vector_load %arg7[%get3A_481, %get3A_482] {strides = array<i32>} : memref<64x768xf32, #tpu.memory_space<vmem>>, vector<1x16xf32>,
      %get3A_484 = vector.shape_cast %get3A_483 : vector<1x16xf32> to vector<16xf32>
      %get3A_485 = arith.index_cast %scan3A_20 : i32 to index
      %get3A_486 = arith.constant 528 : index
      %get3A_487 = tpu.vector_load %arg8[%get3A_485, %get3A_486] {strides = array<i32>} : memref<64x768xf32, #tpu.memory_space<vmem>>, vector<1x16xf32>,
      %get3A_488 = vector.shape_cast %get3A_487 : vector<1x16xf32> to vector<16xf32>
      %add3A_489 = arith.addf %get3A_484, %get3A_488 : vector<16xf32>
      %swap3A_490 = arith.index_cast %scan3A_20 : i32 to index
      %swap3A_491 = arith.constant 528 : index
      %swap3A_492 = tpu.vector_load %arg7[%swap3A_490, %swap3A_491] {strides = array<i32>} : memref<64x768xf32, #tpu.memory_space<vmem>>, vector<1x16xf32>,
      %swap3A_493 = vector.shape_cast %swap3A_492 : vector<1x16xf32> to vector<16xf32>
      %swap3A_494 = vector.shape_cast %add3A_489 : vector<16xf32> to vector<1x16xf32>
      tpu.vector_store %arg7[%swap3A_490, %swap3A_491], %swap3A_494 {strides = array<i32>} : memref<64x768xf32, #tpu.memory_space<vmem>>, vector<1x16xf32>,
      %get3A_495 = arith.index_cast %scan3A_20 : i32 to index
      %get3A_496 = arith.constant 544 : index
      %get3A_497 = tpu.vector_load %arg7[%get3A_495, %get3A_496] {strides = array<i32>} : memref<64x768xf32, #tpu.memory_space<vmem>>, vector<1x16xf32>,
      %get3A_498 = vector.shape_cast %get3A_497 : vector<1x16xf32> to vector<16xf32>
      %get3A_499 = arith.index_cast %scan3A_20 : i32 to index
      %get3A_500 = arith.constant 544 : index
      %get3A_501 = tpu.vector_load %arg8[%get3A_499, %get3A_500] {strides = array<i32>} : memref<64x768xf32, #tpu.memory_space<vmem>>, vector<1x16xf32>,
      %get3A_502 = vector.shape_cast %get3A_501 : vector<1x16xf32> to vector<16xf32>
      %add3A_503 = arith.addf %get3A_498, %get3A_502 : vector<16xf32>
      %swap3A_504 = arith.index_cast %scan3A_20 : i32 to index
      %swap3A_505 = arith.constant 544 : index
      %swap3A_506 = tpu.vector_load %arg7[%swap3A_504, %swap3A_505] {strides = array<i32>} : memref<64x768xf32, #tpu.memory_space<vmem>>, vector<1x16xf32>,
      %swap3A_507 = vector.shape_cast %swap3A_506 : vector<1x16xf32> to vector<16xf32>
      %swap3A_508 = vector.shape_cast %add3A_503 : vector<16xf32> to vector<1x16xf32>
      tpu.vector_store %arg7[%swap3A_504, %swap3A_505], %swap3A_508 {strides = array<i32>} : memref<64x768xf32, #tpu.memory_space<vmem>>, vector<1x16xf32>,
      %get3A_509 = arith.index_cast %scan3A_20 : i32 to index
      %get3A_510 = arith.constant 560 : index
      %get3A_511 = tpu.vector_load %arg7[%get3A_509, %get3A_510] {strides = array<i32>} : memref<64x768xf32, #tpu.memory_space<vmem>>, vector<1x16xf32>,
      %get3A_512 = vector.shape_cast %get3A_511 : vector<1x16xf32> to vector<16xf32>
      %get3A_513 = arith.index_cast %scan3A_20 : i32 to index
      %get3A_514 = arith.constant 560 : index
      %get3A_515 = tpu.vector_load %arg8[%get3A_513, %get3A_514] {strides = array<i32>} : memref<64x768xf32, #tpu.memory_space<vmem>>, vector<1x16xf32>,
      %get3A_516 = vector.shape_cast %get3A_515 : vector<1x16xf32> to vector<16xf32>
      %add3A_517 = arith.addf %get3A_512, %get3A_516 : vector<16xf32>
      %swap3A_518 = arith.index_cast %scan3A_20 : i32 to index
      %swap3A_519 = arith.constant 560 : index
      %swap3A_520 = tpu.vector_load %arg7[%swap3A_518, %swap3A_519] {strides = array<i32>} : memref<64x768xf32, #tpu.memory_space<vmem>>, vector<1x16xf32>,
      %swap3A_521 = vector.shape_cast %swap3A_520 : vector<1x16xf32> to vector<16xf32>
      %swap3A_522 = vector.shape_cast %add3A_517 : vector<16xf32> to vector<1x16xf32>
      tpu.vector_store %arg7[%swap3A_518, %swap3A_519], %swap3A_522 {strides = array<i32>} : memref<64x768xf32, #tpu.memory_space<vmem>>, vector<1x16xf32>,
      %get3A_523 = arith.index_cast %scan3A_20 : i32 to index
      %get3A_524 = arith.constant 576 : index
      %get3A_525 = tpu.vector_load %arg7[%get3A_523, %get3A_524] {strides = array<i32>} : memref<64x768xf32, #tpu.memory_space<vmem>>, vector<1x16xf32>,
      %get3A_526 = vector.shape_cast %get3A_525 : vector<1x16xf32> to vector<16xf32>
      %get3A_527 = arith.index_cast %scan3A_20 : i32 to index
      %get3A_528 = arith.constant 576 : index
      %get3A_529 = tpu.vector_load %arg8[%get3A_527, %get3A_528] {strides = array<i32>} : memref<64x768xf32, #tpu.memory_space<vmem>>, vector<1x16xf32>,
      %get3A_530 = vector.shape_cast %get3A_529 : vector<1x16xf32> to vector<16xf32>
      %add3A_531 = arith.addf %get3A_526, %get3A_530 : vector<16xf32>
      %swap3A_532 = arith.index_cast %scan3A_20 : i32 to index
      %swap3A_533 = arith.constant 576 : index
      %swap3A_534 = tpu.vector_load %arg7[%swap3A_532, %swap3A_533] {strides = array<i32>} : memref<64x768xf32, #tpu.memory_space<vmem>>, vector<1x16xf32>,
      %swap3A_535 = vector.shape_cast %swap3A_534 : vector<1x16xf32> to vector<16xf32>
      %swap3A_536 = vector.shape_cast %add3A_531 : vector<16xf32> to vector<1x16xf32>
      tpu.vector_store %arg7[%swap3A_532, %swap3A_533], %swap3A_536 {strides = array<i32>} : memref<64x768xf32, #tpu.memory_space<vmem>>, vector<1x16xf32>,
      %get3A_537 = arith.index_cast %scan3A_20 : i32 to index
      %get3A_538 = arith.constant 592 : index
      %get3A_539 = tpu.vector_load %arg7[%get3A_537, %get3A_538] {strides = array<i32>} : memref<64x768xf32, #tpu.memory_space<vmem>>, vector<1x16xf32>,
      %get3A_540 = vector.shape_cast %get3A_539 : vector<1x16xf32> to vector<16xf32>
      %get3A_541 = arith.index_cast %scan3A_20 : i32 to index
      %get3A_542 = arith.constant 592 : index
      %get3A_543 = tpu.vector_load %arg8[%get3A_541, %get3A_542] {strides = array<i32>} : memref<64x768xf32, #tpu.memory_space<vmem>>, vector<1x16xf32>,
      %get3A_544 = vector.shape_cast %get3A_543 : vector<1x16xf32> to vector<16xf32>
      %add3A_545 = arith.addf %get3A_540, %get3A_544 : vector<16xf32>
      %swap3A_546 = arith.index_cast %scan3A_20 : i32 to index
      %swap3A_547 = arith.constant 592 : index
      %swap3A_548 = tpu.vector_load %arg7[%swap3A_546, %swap3A_547] {strides = array<i32>} : memref<64x768xf32, #tpu.memory_space<vmem>>, vector<1x16xf32>,
      %swap3A_549 = vector.shape_cast %swap3A_548 : vector<1x16xf32> to vector<16xf32>
      %swap3A_550 = vector.shape_cast %add3A_545 : vector<16xf32> to vector<1x16xf32>
      tpu.vector_store %arg7[%swap3A_546, %swap3A_547], %swap3A_550 {strides = array<i32>} : memref<64x768xf32, #tpu.memory_space<vmem>>, vector<1x16xf32>,
      %get3A_551 = arith.index_cast %scan3A_20 : i32 to index
      %get3A_552 = arith.constant 608 : index
      %get3A_553 = tpu.vector_load %arg7[%get3A_551, %get3A_552] {strides = array<i32>} : memref<64x768xf32, #tpu.memory_space<vmem>>, vector<1x16xf32>,
      %get3A_554 = vector.shape_cast %get3A_553 : vector<1x16xf32> to vector<16xf32>
      %get3A_555 = arith.index_cast %scan3A_20 : i32 to index
      %get3A_556 = arith.constant 608 : index
      %get3A_557 = tpu.vector_load %arg8[%get3A_555, %get3A_556] {strides = array<i32>} : memref<64x768xf32, #tpu.memory_space<vmem>>, vector<1x16xf32>,
      %get3A_558 = vector.shape_cast %get3A_557 : vector<1x16xf32> to vector<16xf32>
      %add3A_559 = arith.addf %get3A_554, %get3A_558 : vector<16xf32>
      %swap3A_560 = arith.index_cast %scan3A_20 : i32 to index
      %swap3A_561 = arith.constant 608 : index
      %swap3A_562 = tpu.vector_load %arg7[%swap3A_560, %swap3A_561] {strides = array<i32>} : memref<64x768xf32, #tpu.memory_space<vmem>>, vector<1x16xf32>,
      %swap3A_563 = vector.shape_cast %swap3A_562 : vector<1x16xf32> to vector<16xf32>
      %swap3A_564 = vector.shape_cast %add3A_559 : vector<16xf32> to vector<1x16xf32>
      tpu.vector_store %arg7[%swap3A_560, %swap3A_561], %swap3A_564 {strides = array<i32>} : memref<64x768xf32, #tpu.memory_space<vmem>>, vector<1x16xf32>,
      %get3A_565 = arith.index_cast %scan3A_20 : i32 to index
      %get3A_566 = arith.constant 624 : index
      %get3A_567 = tpu.vector_load %arg7[%get3A_565, %get3A_566] {strides = array<i32>} : memref<64x768xf32, #tpu.memory_space<vmem>>, vector<1x16xf32>,
      %get3A_568 = vector.shape_cast %get3A_567 : vector<1x16xf32> to vector<16xf32>
      %get3A_569 = arith.index_cast %scan3A_20 : i32 to index
      %get3A_570 = arith.constant 624 : index
      %get3A_571 = tpu.vector_load %arg8[%get3A_569, %get3A_570] {strides = array<i32>} : memref<64x768xf32, #tpu.memory_space<vmem>>, vector<1x16xf32>,
      %get3A_572 = vector.shape_cast %get3A_571 : vector<1x16xf32> to vector<16xf32>
      %add3A_573 = arith.addf %get3A_568, %get3A_572 : vector<16xf32>
      %swap3A_574 = arith.index_cast %scan3A_20 : i32 to index
      %swap3A_575 = arith.constant 624 : index
      %swap3A_576 = tpu.vector_load %arg7[%swap3A_574, %swap3A_575] {strides = array<i32>} : memref<64x768xf32, #tpu.memory_space<vmem>>, vector<1x16xf32>,
      %swap3A_577 = vector.shape_cast %swap3A_576 : vector<1x16xf32> to vector<16xf32>
      %swap3A_578 = vector.shape_cast %add3A_573 : vector<16xf32> to vector<1x16xf32>
      tpu.vector_store %arg7[%swap3A_574, %swap3A_575], %swap3A_578 {strides = array<i32>} : memref<64x768xf32, #tpu.memory_space<vmem>>, vector<1x16xf32>,
      %get3A_579 = arith.index_cast %scan3A_20 : i32 to index
      %get3A_580 = arith.constant 640 : index
      %get3A_581 = tpu.vector_load %arg7[%get3A_579, %get3A_580] {strides = array<i32>} : memref<64x768xf32, #tpu.memory_space<vmem>>, vector<1x16xf32>,
      %get3A_582 = vector.shape_cast %get3A_581 : vector<1x16xf32> to vector<16xf32>
      %get3A_583 = arith.index_cast %scan3A_20 : i32 to index
      %get3A_584 = arith.constant 640 : index
      %get3A_585 = tpu.vector_load %arg8[%get3A_583, %get3A_584] {strides = array<i32>} : memref<64x768xf32, #tpu.memory_space<vmem>>, vector<1x16xf32>,
      %get3A_586 = vector.shape_cast %get3A_585 : vector<1x16xf32> to vector<16xf32>
      %add3A_587 = arith.addf %get3A_582, %get3A_586 : vector<16xf32>
      %swap3A_588 = arith.index_cast %scan3A_20 : i32 to index
      %swap3A_589 = arith.constant 640 : index
      %swap3A_590 = tpu.vector_load %arg7[%swap3A_588, %swap3A_589] {strides = array<i32>} : memref<64x768xf32, #tpu.memory_space<vmem>>, vector<1x16xf32>,
      %swap3A_591 = vector.shape_cast %swap3A_590 : vector<1x16xf32> to vector<16xf32>
      %swap3A_592 = vector.shape_cast %add3A_587 : vector<16xf32> to vector<1x16xf32>
      tpu.vector_store %arg7[%swap3A_588, %swap3A_589], %swap3A_592 {strides = array<i32>} : memref<64x768xf32, #tpu.memory_space<vmem>>, vector<1x16xf32>,
      %get3A_593 = arith.index_cast %scan3A_20 : i32 to index
      %get3A_594 = arith.constant 656 : index
      %get3A_595 = tpu.vector_load %arg7[%get3A_593, %get3A_594] {strides = array<i32>} : memref<64x768xf32, #tpu.memory_space<vmem>>, vector<1x16xf32>,
      %get3A_596 = vector.shape_cast %get3A_595 : vector<1x16xf32> to vector<16xf32>
      %get3A_597 = arith.index_cast %scan3A_20 : i32 to index
      %get3A_598 = arith.constant 656 : index
      %get3A_599 = tpu.vector_load %arg8[%get3A_597, %get3A_598] {strides = array<i32>} : memref<64x768xf32, #tpu.memory_space<vmem>>, vector<1x16xf32>,
      %get3A_600 = vector.shape_cast %get3A_599 : vector<1x16xf32> to vector<16xf32>
      %add3A_601 = arith.addf %get3A_596, %get3A_600 : vector<16xf32>
      %swap3A_602 = arith.index_cast %scan3A_20 : i32 to index
      %swap3A_603 = arith.constant 656 : index
      %swap3A_604 = tpu.vector_load %arg7[%swap3A_602, %swap3A_603] {strides = array<i32>} : memref<64x768xf32, #tpu.memory_space<vmem>>, vector<1x16xf32>,
      %swap3A_605 = vector.shape_cast %swap3A_604 : vector<1x16xf32> to vector<16xf32>
      %swap3A_606 = vector.shape_cast %add3A_601 : vector<16xf32> to vector<1x16xf32>
      tpu.vector_store %arg7[%swap3A_602, %swap3A_603], %swap3A_606 {strides = array<i32>} : memref<64x768xf32, #tpu.memory_space<vmem>>, vector<1x16xf32>,
      %get3A_607 = arith.index_cast %scan3A_20 : i32 to index
      %get3A_608 = arith.constant 672 : index
      %get3A_609 = tpu.vector_load %arg7[%get3A_607, %get3A_608] {strides = array<i32>} : memref<64x768xf32, #tpu.memory_space<vmem>>, vector<1x16xf32>,
      %get3A_610 = vector.shape_cast %get3A_609 : vector<1x16xf32> to vector<16xf32>
      %get3A_611 = arith.index_cast %scan3A_20 : i32 to index
      %get3A_612 = arith.constant 672 : index
      %get3A_613 = tpu.vector_load %arg8[%get3A_611, %get3A_612] {strides = array<i32>} : memref<64x768xf32, #tpu.memory_space<vmem>>, vector<1x16xf32>,
      %get3A_614 = vector.shape_cast %get3A_613 : vector<1x16xf32> to vector<16xf32>
      %add3A_615 = arith.addf %get3A_610, %get3A_614 : vector<16xf32>
      %swap3A_616 = arith.index_cast %scan3A_20 : i32 to index
      %swap3A_617 = arith.constant 672 : index
      %swap3A_618 = tpu.vector_load %arg7[%swap3A_616, %swap3A_617] {strides = array<i32>} : memref<64x768xf32, #tpu.memory_space<vmem>>, vector<1x16xf32>,
      %swap3A_619 = vector.shape_cast %swap3A_618 : vector<1x16xf32> to vector<16xf32>
      %swap3A_620 = vector.shape_cast %add3A_615 : vector<16xf32> to vector<1x16xf32>
      tpu.vector_store %arg7[%swap3A_616, %swap3A_617], %swap3A_620 {strides = array<i32>} : memref<64x768xf32, #tpu.memory_space<vmem>>, vector<1x16xf32>,
      %get3A_621 = arith.index_cast %scan3A_20 : i32 to index
      %get3A_622 = arith.constant 688 : index
      %get3A_623 = tpu.vector_load %arg7[%get3A_621, %get3A_622] {strides = array<i32>} : memref<64x768xf32, #tpu.memory_space<vmem>>, vector<1x16xf32>,
      %get3A_624 = vector.shape_cast %get3A_623 : vector<1x16xf32> to vector<16xf32>
      %get3A_625 = arith.index_cast %scan3A_20 : i32 to index
      %get3A_626 = arith.constant 688 : index
      %get3A_627 = tpu.vector_load %arg8[%get3A_625, %get3A_626] {strides = array<i32>} : memref<64x768xf32, #tpu.memory_space<vmem>>, vector<1x16xf32>,
      %get3A_628 = vector.shape_cast %get3A_627 : vector<1x16xf32> to vector<16xf32>
      %add3A_629 = arith.addf %get3A_624, %get3A_628 : vector<16xf32>
      %swap3A_630 = arith.index_cast %scan3A_20 : i32 to index
      %swap3A_631 = arith.constant 688 : index
      %swap3A_632 = tpu.vector_load %arg7[%swap3A_630, %swap3A_631] {strides = array<i32>} : memref<64x768xf32, #tpu.memory_space<vmem>>, vector<1x16xf32>,
      %swap3A_633 = vector.shape_cast %swap3A_632 : vector<1x16xf32> to vector<16xf32>
      %swap3A_634 = vector.shape_cast %add3A_629 : vector<16xf32> to vector<1x16xf32>
      tpu.vector_store %arg7[%swap3A_630, %swap3A_631], %swap3A_634 {strides = array<i32>} : memref<64x768xf32, #tpu.memory_space<vmem>>, vector<1x16xf32>,
      %get3A_635 = arith.index_cast %scan3A_20 : i32 to index
      %get3A_636 = arith.constant 704 : index
      %get3A_637 = tpu.vector_load %arg7[%get3A_635, %get3A_636] {strides = array<i32>} : memref<64x768xf32, #tpu.memory_space<vmem>>, vector<1x16xf32>,
      %get3A_638 = vector.shape_cast %get3A_637 : vector<1x16xf32> to vector<16xf32>
      %get3A_639 = arith.index_cast %scan3A_20 : i32 to index
      %get3A_640 = arith.constant 704 : index
      %get3A_641 = tpu.vector_load %arg8[%get3A_639, %get3A_640] {strides = array<i32>} : memref<64x768xf32, #tpu.memory_space<vmem>>, vector<1x16xf32>,
      %get3A_642 = vector.shape_cast %get3A_641 : vector<1x16xf32> to vector<16xf32>
      %add3A_643 = arith.addf %get3A_638, %get3A_642 : vector<16xf32>
      %swap3A_644 = arith.index_cast %scan3A_20 : i32 to index
      %swap3A_645 = arith.constant 704 : index
      %swap3A_646 = tpu.vector_load %arg7[%swap3A_644, %swap3A_645] {strides = array<i32>} : memref<64x768xf32, #tpu.memory_space<vmem>>, vector<1x16xf32>,
      %swap3A_647 = vector.shape_cast %swap3A_646 : vector<1x16xf32> to vector<16xf32>
      %swap3A_648 = vector.shape_cast %add3A_643 : vector<16xf32> to vector<1x16xf32>
      tpu.vector_store %arg7[%swap3A_644, %swap3A_645], %swap3A_648 {strides = array<i32>} : memref<64x768xf32, #tpu.memory_space<vmem>>, vector<1x16xf32>,
      %get3A_649 = arith.index_cast %scan3A_20 : i32 to index
      %get3A_650 = arith.constant 720 : index
      %get3A_651 = tpu.vector_load %arg7[%get3A_649, %get3A_650] {strides = array<i32>} : memref<64x768xf32, #tpu.memory_space<vmem>>, vector<1x16xf32>,
      %get3A_652 = vector.shape_cast %get3A_651 : vector<1x16xf32> to vector<16xf32>
      %get3A_653 = arith.index_cast %scan3A_20 : i32 to index
      %get3A_654 = arith.constant 720 : index
      %get3A_655 = tpu.vector_load %arg8[%get3A_653, %get3A_654] {strides = array<i32>} : memref<64x768xf32, #tpu.memory_space<vmem>>, vector<1x16xf32>,
      %get3A_656 = vector.shape_cast %get3A_655 : vector<1x16xf32> to vector<16xf32>
      %add3A_657 = arith.addf %get3A_652, %get3A_656 : vector<16xf32>
      %swap3A_658 = arith.index_cast %scan3A_20 : i32 to index
      %swap3A_659 = arith.constant 720 : index
      %swap3A_660 = tpu.vector_load %arg7[%swap3A_658, %swap3A_659] {strides = array<i32>} : memref<64x768xf32, #tpu.memory_space<vmem>>, vector<1x16xf32>,
      %swap3A_661 = vector.shape_cast %swap3A_660 : vector<1x16xf32> to vector<16xf32>
      %swap3A_662 = vector.shape_cast %add3A_657 : vector<16xf32> to vector<1x16xf32>
      tpu.vector_store %arg7[%swap3A_658, %swap3A_659], %swap3A_662 {strides = array<i32>} : memref<64x768xf32, #tpu.memory_space<vmem>>, vector<1x16xf32>,
      %get3A_663 = arith.index_cast %scan3A_20 : i32 to index
      %get3A_664 = arith.constant 736 : index
      %get3A_665 = tpu.vector_load %arg7[%get3A_663, %get3A_664] {strides = array<i32>} : memref<64x768xf32, #tpu.memory_space<vmem>>, vector<1x16xf32>,
      %get3A_666 = vector.shape_cast %get3A_665 : vector<1x16xf32> to vector<16xf32>
      %get3A_667 = arith.index_cast %scan3A_20 : i32 to index
      %get3A_668 = arith.constant 736 : index
      %get3A_669 = tpu.vector_load %arg8[%get3A_667, %get3A_668] {strides = array<i32>} : memref<64x768xf32, #tpu.memory_space<vmem>>, vector<1x16xf32>,
      %get3A_670 = vector.shape_cast %get3A_669 : vector<1x16xf32> to vector<16xf32>
      %add3A_671 = arith.addf %get3A_666, %get3A_670 : vector<16xf32>
      %swap3A_672 = arith.index_cast %scan3A_20 : i32 to index
      %swap3A_673 = arith.constant 736 : index
      %swap3A_674 = tpu.vector_load %arg7[%swap3A_672, %swap3A_673] {strides = array<i32>} : memref<64x768xf32, #tpu.memory_space<vmem>>, vector<1x16xf32>,
      %swap3A_675 = vector.shape_cast %swap3A_674 : vector<1x16xf32> to vector<16xf32>
      %swap3A_676 = vector.shape_cast %add3A_671 : vector<16xf32> to vector<1x16xf32>
      tpu.vector_store %arg7[%swap3A_672, %swap3A_673], %swap3A_676 {strides = array<i32>} : memref<64x768xf32, #tpu.memory_space<vmem>>, vector<1x16xf32>,
      %get3A_677 = arith.index_cast %scan3A_20 : i32 to index
      %get3A_678 = arith.constant 752 : index
      %get3A_679 = tpu.vector_load %arg7[%get3A_677, %get3A_678] {strides = array<i32>} : memref<64x768xf32, #tpu.memory_space<vmem>>, vector<1x16xf32>,
      %get3A_680 = vector.shape_cast %get3A_679 : vector<1x16xf32> to vector<16xf32>
      %get3A_681 = arith.index_cast %scan3A_20 : i32 to index
      %get3A_682 = arith.constant 752 : index
      %get3A_683 = tpu.vector_load %arg8[%get3A_681, %get3A_682] {strides = array<i32>} : memref<64x768xf32, #tpu.memory_space<vmem>>, vector<1x16xf32>,
      %get3A_684 = vector.shape_cast %get3A_683 : vector<1x16xf32> to vector<16xf32>
      %add3A_685 = arith.addf %get3A_680, %get3A_684 : vector<16xf32>
      %swap3A_686 = arith.index_cast %scan3A_20 : i32 to index
      %swap3A_687 = arith.constant 752 : index
      %swap3A_688 = tpu.vector_load %arg7[%swap3A_686, %swap3A_687] {strides = array<i32>} : memref<64x768xf32, #tpu.memory_space<vmem>>, vector<1x16xf32>,
      %swap3A_689 = vector.shape_cast %swap3A_688 : vector<1x16xf32> to vector<16xf32>
      %swap3A_690 = vector.shape_cast %add3A_685 : vector<16xf32> to vector<1x16xf32>
      tpu.vector_store %arg7[%swap3A_686, %swap3A_687], %swap3A_690 {strides = array<i32>} : memref<64x768xf32, #tpu.memory_space<vmem>>, vector<1x16xf32>,
    }
    %scan3A_19 = arith.constant 64 : i32
    %run_scoped3A = arith.constant 0 : i32
    "tpu.region"() ({
      %run_scoped3A_20 = tpu.sem_alloc : memref<!tpu.dma_semaphore, #tpu.memory_space<semaphore_mem>>
      %dma_start3A_21 = arith.constant 0 : i32
      %dma_start3A_22 = tpu.memref_slice %arg5[%run_scoped3A, %mul3A_2, %dma_start3A_21] : memref<1x2048x768xf32, #tpu.memory_space<hbm>> -> memref<1x64x768xf32, #tpu.memory_space<hbm>>
      %dma_start3A_23 = tpu.memref_squeeze %dma_start3A_22 : memref<1x64x768xf32, #tpu.memory_space<hbm>> -> memref<64x768xf32, #tpu.memory_space<hbm>>
      %dma_start3A_24 = arith.constant 0 : i32
      %dma_start3A_25 = tpu.memref_slice %arg5[%run_scoped3A, %mul3A_2, %dma_start3A_24] : memref<1x2048x768xf32, #tpu.memory_space<hbm>> -> memref<1x64x768xf32, #tpu.memory_space<hbm>>
      %dma_start3A_26 = tpu.memref_squeeze %dma_start3A_25 : memref<1x64x768xf32, #tpu.memory_space<hbm>> -> memref<64x768xf32, #tpu.memory_space<hbm>>
      tpu.enqueue_dma source(%arg7 : memref<64x768xf32, #tpu.memory_space<vmem>>) target(%dma_start3A_26 : memref<64x768xf32, #tpu.memory_space<hbm>>) target_semaphore(%run_scoped3A_20 : memref<!tpu.dma_semaphore, #tpu.memory_space<semaphore_mem>>)
      %dma_wait3A_27 = arith.constant 0 : i32
      %dma_wait3A_28 = tpu.memref_slice %arg5[%run_scoped3A, %mul3A_2, %dma_wait3A_27] : memref<1x2048x768xf32, #tpu.memory_space<hbm>> -> memref<1x64x768xf32, #tpu.memory_space<hbm>>
      %dma_wait3A_29 = tpu.memref_squeeze %dma_wait3A_28 : memref<1x64x768xf32, #tpu.memory_space<hbm>> -> memref<64x768xf32, #tpu.memory_space<hbm>>
      %dma_wait3A_30 = arith.constant 0 : i32
      %dma_wait3A_31 = tpu.memref_slice %arg5[%run_scoped3A, %mul3A_2, %dma_wait3A_30] : memref<1x2048x768xf32, #tpu.memory_space<hbm>> -> memref<1x64x768xf32, #tpu.memory_space<hbm>>
      %dma_wait3A_32 = tpu.memref_squeeze %dma_wait3A_31 : memref<1x64x768xf32, #tpu.memory_space<hbm>> -> memref<64x768xf32, #tpu.memory_space<hbm>>
      tpu.wait_dma2 semaphore(%run_scoped3A_20 : memref<!tpu.dma_semaphore, #tpu.memory_space<semaphore_mem>>) src(%arg7 : memref<64x768xf32, #tpu.memory_space<vmem>>) dst(%dma_wait3A_32 : memref<64x768xf32, #tpu.memory_space<hbm>>)
      tpu.yield
    }) : () -> ()
    return
  }
}

</mosaic_0001>

<sc_bundles>
// kernel: _embedding.3.cloned.1.call-start
scs
__scs_entry_jumppad:
0x0: {  	(pc) =	sbr.rel $0x88, $3  }
0x1: {  	(tag) =	ssettag $0x0;
	lr =	simm.s32 $0x1  }
0x2: {  	[smem:$0x3F9E] =	sst lr;
	_ =	strace $0xD0000000  }
0x3: {  	_ = 	snop  }
0x4: {  	_ = 	snop  }
0x5: {  	_ = 	snop  }
0x6: {  	_ = 	snop  }
0x7: {  	_ = 	snop  }
__scs_overlays_trampoline_lowered:
0x8: {  	[smem:$0x3FAD] =	sst s0  }
0x9: {  	[smem:$0x3FAE] =	sst s1  }
0xa: {  	[smem:$0x3FAF] =	sst s2  }
0xb: {  	[smem:$0x3FB0] =	sst s3  }
0xc: {  	[smem:$0x3FB1] =	sst s4  }
0xd: {  	[smem:$0x3FB2] =	sst s5  }
0xe: {  	[smem:$0x3FB3] =	sst s6  }
0xf: {  	[smem:$0x3FB4] =	sst s7  }
0x10: {  	[smem:$0x3FB5] =	sst s8  }
0x11: {  	[smem:$0x3FB6] =	sst s9;
	s0 =	simm.s32 @!p0 $0x0  }
0x12: {  	s1 =	sld [smem:$0x3F9C];
	s0 =	simm.s32 @p0 $0x1  }
0x13: {  	[smem:$0x3FB7] =	sst s0;
	s0 =	simm.s32 @!p1 $0x0  }
0x14: {  	s2 =	sld [smem:$0x3F9B];
	s0 =	simm.s32 @p1 $0x1  }
0x15: {  	[smem:$0x3FB8] =	sst s0;
	s0 =	simm.s32 @!p2 $0x0  }
0x16: {  	s3 =	sld [smem:$0x3FDB];
	s0 =	simm.s32 @p2 $0x1  }
0x17: {  	s4 =	simm.s32 $0x1BF5;
	[smem:$0x3FBA] =	sst s0  }
0x18: {  	s0 =	sld [smem:$0x3F9D];
	_ =	swait.ge [sflag:s4], $0x0  }
0x19: {  	s7 =	sld [smem:$0x3F9E]  }
0x1a: {  	s8 =	sadd.s32 $0xFFFFE003, lr  }
0x1b: {  	s9 =	sadd.s32 $0xFFFFFEF7, lr;
	s5 =	simm.s32 $0xFFFFFFFF;
	p2 =	slt.u32 s8, $0xFFFFF086  }
0x1c: {  	p1 =	slt.u32 s9, $0xF7A;
	s5 =	simm.s32 @!p2 $0x0  }
0x1d: {  	s5 =	simm.s32 @p1 $0x1;
	p0 =	seq.s32 s7, s2  }
0x1e: {  	s7 =	smul.u32 @!p0 $0xF7A, s2;
	p2 =	seq.s32 @!p0 s5, $0x0  }
0x1f: {  	s9 =	smul.u32 $0xF7A, s1;
	s8 =	simm.s32 @!p0 $0x1BF5;
	p2 =	por !p2, p0  }
0x20: {  	[sflag:s8] =	ssyncset.s32 @!p0 $0xFFFFF086;
	s6 =	sadd.s32 @!p0 s3, s7;
	s7 =	simm.s32 @!p0 $0x108  }
0x21: {  	s3 =	sadd.s32 s3, s9;
	s6 =	sadd.s32 @!p0 $0x88, s6;
	s7 =	simm.s32 @p2 $0x1082  }
0x22: {  	[simem:s7], [sflag:s8] =	dma.local @!p0 [hbm:s6], $0xF7A  }
0x23: {  	s9 =	sor.u32 $0xD0000000, s2;
	s6 =	simm.s32 $0x108;
	_ =	swait.ge @!p0 [sflag:s8], $0x0  }
0x24: {  	s3 =	sadd.s32 $0x88, s3;
	s6 =	simm.s32 @!p1 $0x1082;
	[sflag:s4] =	ssyncset.s32 $0xFFFFF086  }
0x25: {  	[simem:s6], [sflag:s4] =	dma.local [hbm:s3], $0xF7A  }
0x26: {  	[smem:$0x3F9E] =	sst s1;
	(tag) =	ssettag s2;
	_ =	strace s9  }
0x27: {  	s1 =	sld [smem:$0x3FAE]  }
0x28: {  	s2 =	sld [smem:$0x3FAF]  }
0x29: {  	s4 =	sld [smem:$0x3FB1]  }
0x2a: {  	p0 =	seq.s32 s5, $0x0;
	s5 =	sld [smem:$0x3FB2]  }
0x2b: {  	s6 =	sld [smem:$0x3FB3]  }
0x2c: {  	s7 =	sld [smem:$0x3FB4]  }
0x2d: {  	s3 =	simm.s32 $0x108;
	s8 =	sld [smem:$0x3FB5]  }
0x2e: {  	s3 =	simm.s32 @!p0 $0x1082;
	s9 =	sld [smem:$0x3FB6]  }
0x2f: {  	lr =	sadd.s32 s0, s3;
	s0 =	sld [smem:$0x3FAD]  }
0x30: {  	s3 =	sld [smem:$0x3FB0]  }
0x31: {  	[smem:$0x3FB9] =	sst s10  }
0x32: {  	s10 =	sld [smem:$0x3FB7];
	_ =	sdelay $0x3  }
0x33: {  	p0 =	seq.s32 s10, $0x1;
	s10 =	sld [smem:$0x3FB9];
	_ =	sdelay $0x3  }
0x34: {  	[smem:$0x3FB9] =	sst s10  }
0x35: {  	s10 =	sld [smem:$0x3FB8];
	_ =	sdelay $0x3  }
0x36: {  	p1 =	seq.s32 s10, $0x1;
	s10 =	sld [smem:$0x3FB9];
	_ =	sdelay $0x3  }
0x37: {  	[smem:$0x3FB9] =	sst s10  }
0x38: {  	s10 =	sld [smem:$0x3FBA]  }
0x39: {  	_ = 	snop;
	(pc) =	sbr.ind lr, $3  }
0x3a: {  	_ = 	snop  }
0x3b: {  	_ = 	snop  }
0x3c: {  	p2 =	seq.s32 s10, $0x1;
	s10 =	sld [smem:$0x3FB9]  }
0x3d: {  	_ =	shalt  }
0x3e: {  	_ =	shalt  }
0x3f: {  	_ =	shalt  }
0x40: {  	_ =	shalt  }
0x41: {  	_ =	shalt  }
0x42: {  	_ =	shalt  }
0x43: {  	_ =	shalt  }
0x44: {  	_ =	shalt  }
0x45: {  	_ =	shalt  }
0x46: {  	_ =	shalt  }
0x47: {  	_ =	shalt  }
0x48: {  	_ =	shalt  }
0x49: {  	_ =	shalt  }
0x4a: {  	_ =	shalt  }
0x4b: {  	_ =	shalt  }
0x4c: {  	_ =	shalt  }
0x4d: {  	_ =	shalt  }
0x4e: {  	_ =	shalt  }
0x4f: {  	_ =	shalt  }
0x50: {  	_ =	shalt  }
0x51: {  	_ =	shalt  }
0x52: {  	_ =	shalt  }
0x53: {  	_ =	shalt  }
0x54: {  	_ =	shalt  }
0x55: {  	_ =	shalt  }
0x56: {  	_ =	shalt  }
0x57: {  	_ =	shalt  }
0x58: {  	_ =	shalt  }
0x59: {  	_ =	shalt  }
0x5a: {  	_ =	shalt  }
0x5b: {  	_ =	shalt  }
0x5c: {  	_ =	shalt  }
0x5d: {  	_ =	shalt  }
0x5e: {  	_ =	shalt  }
0x5f: {  	_ =	shalt  }
0x60: {  	_ =	shalt  }
0x61: {  	_ =	shalt  }
0x62: {  	_ =	shalt  }
0x63: {  	_ =	shalt  }
0x64: {  	_ =	shalt  }
0x65: {  	_ =	shalt  }
0x66: {  	_ =	shalt  }
0x67: {  	_ =	shalt  }
0x68: {  	_ =	shalt  }
0x69: {  	_ =	shalt  }
0x6a: {  	_ =	shalt  }
0x6b: {  	_ =	shalt  }
0x6c: {  	_ =	shalt  }
0x6d: {  	_ =	shalt  }
0x6e: {  	_ =	shalt  }
0x6f: {  	_ =	shalt  }
0x70: {  	_ =	shalt  }
0x71: {  	_ =	shalt  }
0x72: {  	_ =	shalt  }
0x73: {  	_ =	shalt  }
0x74: {  	_ =	shalt  }
0x75: {  	_ =	shalt  }
0x76: {  	_ =	shalt  }
0x77: {  	_ =	shalt  }
0x78: {  	_ =	shalt  }
0x79: {  	_ =	shalt  }
0x7a: {  	_ =	shalt  }
0x7b: {  	_ =	shalt  }
0x7c: {  	_ =	shalt  }
0x7d: {  	_ =	shalt  }
0x7e: {  	_ =	shalt  }
0x7f: {  	_ =	shalt  }
0x80: {  	_ =	shalt  }
0x81: {  	_ =	shalt  }
0x82: {  	_ =	shalt  }
0x83: {  	_ =	shalt  }
0x84: {  	_ =	shalt  }
0x85: {  	_ =	shalt  }
0x86: {  	_ =	shalt  }
0x87: {  	_ =	shalt  }
.Lfunc_end0:
.L_simem_size_0:
called_computation_lowered:
.L_overlay_start_0:
0x88: {  	s2 =	sld [smem:$0x3FD9]  }
0x89: {  	s3 =	sld [smem:$0x3FFE];
	_ =	sdelay $0x1  }
0x8a: {  	s1 =	srdreg.scid  }
0x8b: {  	s0 =	sand.u32 $0x1, s1  }
0x8c: {  	s18 =	sshll.u32 s0, $0xA;
	s2 =	sadd.s32 s3, s2  }
0x8d: {  	s2 =	sadd.s32 s2, s18  }
0x8e: {  	[smem:$0x3FC5] =	sst s2  }
0x8f: {  	_ = 	snop  }
0x90: {  	s2 =	sld [smem:$0x3FC9]  }
0x91: {  	s19 =	sld [smem:$0x3FC8]  }
0x92: {  	s4 =	sld [smem:$0x3FC7]  }
0x93: {  	s5 =	sld [smem:$0x3FD0];
	(tm) =	ssettm $0x1  }
0x94: {  	s6 =	sld [smem:$0x3FFB];
	_ =	sdelay $0x3  }
0x95: {  	_ =	strace s6  }
0x96: {  	s6 =	sld [smem:$0x3FFC];
	_ =	sdelay $0x3  }
0x97: {  	_ =	strace s6  }
0x98: {  	s6 =	sld [smem:$0x3FFD];
	_ =	sdelay $0x3  }
0x99: {  	_ =	strace s6  }
0x9a: {  	_ =	strace $0x8FFFFFFF  }
0x9b: {  	s20 =	sld [smem:$0x3FDB];
	_ =	sdelay $0x1  }
0x9c: {  	s7 =	simm.s32 $_scs_section_size  }
0x9d: {  	s8 =	simm.s32 $_size__tile_overlayer_lowered;
	s9 =	simm.s32 $_tile_overlayer_lowered  }
0x9e: {  	s23 =	simm.s32 $0x1BFF;
	s22 =	sshll.u32 s9, $0x1;
	s6 =	sadd.s32 s7, s20  }
0x9f: {  	s10 =	simm.s32 $0x0;
	s21 =	sshll.u32 s8, $0x1;
	s8 =	sadd.s32 s22, s6  }
0xa0: {  	[timem:s10], [sflag:s23] =	dma.local [hbm:s8], s21  }
0xa1: {  	_ =	swait.ge [sflag:s23], s21  }
0xa2: {  	s7 =	ssub.s32 $0x0, s21;
	[sflag:s23] =	ssyncset.done $0x0  }
0xa3: {  	[sflag:s23] =	ssyncadd.s32 s7;
	_ =	sdelay $0x1  }
0xa4: {  	s24 =	simm.s32 $0x1B8B  }
0xa5: {  	_ =	swait.ge [sflag:s24], $0x1  }
0xa6: {  	[sflag:s24] =	ssyncset.done $0x0  }
0xa7: {  	s25 =	simm.s32 $0x1B8E;
	[sflag:s24] =	ssyncadd.s32 $0xFFFFFFFF  }
0xa8: {  	s26 =	simm.s32 $execute0_lowered;
	[smem:$0x3FD2] =	sst s25  }
0xa9: {  	s7 =	sshll.u32 s26, $0x1;
	_ =	strace $0x80000046;
	[dreg:$0x1] =	wrdreg $0xFFFFFFFF  }
0xaa: {  	s28 =	simm.s32 $_size_execute0_lowered;
	s6 =	sadd.s32 s6, s7;
	[dreg:$0x0] =	wrdreg $0x0  }
0xab: {  	s7 =	sshll.u32 s28, $0x1;
	[dreg:$0x2] =	wrdreg s6  }
0xac: {  	[dreg:$0x3] =	wrdreg s7  }
0xad: {  	[dreg:$0x4] =	wrdreg $0xC0  }
0xae: {  	_ =	task [dreg:s10], $0x5FFFF  }
0xaf: {  	[dreg:$0x1] =	wrdreg $0xFFFFFFFF  }
0xb0: {  	[dreg:$0x0] =	wrdreg $0x60  }
0xb1: {  	[dreg:$0x2] =	wrdreg s2  }
0xb2: {  	[dreg:$0x3] =	wrdreg s19  }
0xb3: {  	[dreg:$0x4] =	wrdreg s4  }
0xb4: {  	[dreg:$0x5] =	wrdreg s5  }
0xb5: {  	[dreg:$0x6] =	wrdreg $0x9  }
0xb6: {  	_ =	task.clear_ibuf [dreg:s10], $0x7FFFF;
	_ =	strace $0x90000046  }
0xb7: {  	s29 =	simm.s32 $0x9;
	_ =	strace $0x80000048  }
0xb8: {  	_ =	swait.ge [sflag:s29], $0x1  }
0xb9: {  	[sflag:s29] =	ssyncadd.s32 $0xFFFFFFFF  }
0xba: {  	_ =	strace $0x90000048  }
0xbb: {  	_ =	sfence  }
0xbc: {  	s30 =	sld [smem:$0x0];
	_ =	sdelay $0x2  }
0xbd: {  	s31 =	sshll.u32 s1, $0xD;
	s1 =	sshrl.u32 s1, $0x2  }
0xbe: {  	s3 =	sand.u32 $0x4000, s31;
	s1 =	sadd.s32 s1, s30  }
0xbf: {  	s0 =	sor.u32 s3, s0;
	s1 =	sshll.u32 s1, $0x11  }
0xc0: {  	s0 =	sor.u32 s1, s0  }
0xc1: {  	s0 =	sadd.s32 $0x8F2B, s0  }
0xc2: {  	[sflag:s0] =	ssyncadd.remote.s32 $0x1  }
0xc3: {  	_ =	sfence.sel $0xFFFF  }
0xc4: {  	[dreg:$0x0] =	wrdreg $0xFFFFFFFF;
	(pc) =	sbr.abs _section_cstart, $3  }
0xc5: {  	[dreg:$0x1] =	wrdreg $0xFFFFFFFF  }
0xc6: {  	_ =	task.clear_ibuf [dreg:s10], $0x2FFFF;
	_ =	strace $0x9FFFFFFF  }
0xc7: {  	(tm) =	ssettm $0x7FFFFFFF  }
tec
execute0_lowered:
.L_overlay_start_1:
0x0: {  	(tag) =	ssettag $0x1  }
0x1: {  	s0 =	rddreg [dreg:$0x0]  }
0x2: {  	s1 =	rddreg [dreg:$0x1];
	s2 =	srdreg.scid  }
0x3: {  	s4 =	rddreg [dreg:$0x2];
	s3 =	stileid.u32  }
0x4: {  	s8 =	rddreg [dreg:$0x3];
	s11 =	simm.s32 $0x3;
	s12 =	simm.s32 $0x80  }
0x5: {  	s23 =	simm.s32 $0x5880;
	s24 =	simm.s32 $0x6080;
	s25 =	simm.s32 $0x6880  }
0x6: {  	s28 =	simm.s32 $0x7880;
	s29 =	simm.s32 $0x8080;
	s30 =	simm.s32 $0x8880  }
0x7: {  	s31 =	simm.s32 $0x9080;
	s10 =	simm.s32 $0xA880;
	s13 =	simm.s32 $0xB080  }
0x8: {  	s14 =	simm.s32 $0xB880;
	s15 =	simm.s32 $0x1;
	s16 =	simm.s32 $0x2  }
0x9: {  	s17 =	simm.s32 $0x0;
	s2 =	sand.u32 $0x1, s2;
	s5 =	sshll.u32 s3, $0x4  }
0xa: {  	s3 =	simm.s32 $0x0;
	s7 =	sadd.s32 $0x200, s1;
	s6 =	sshll.u32 s2, $0x3  }
0xb: {  	[smem:$0x7FF] =	sst s3;
	s2 =	ssub.s32 $0x2, s2;
	s5 =	sor.u32 s6, s5  }
0xc: {  	_ =	strace $0x80000047;
	s26 =	sshrl.u32 s2, $0x1;
	s9 =	smul.u32 $0x300, s5  }
0xd: {  	v2 =	vlaneseq.u32;
	s6 =	sadd.s32 $0x100, s1;
	s2 =	ssub.s32 s2, s26;
	s5 =	sadd.s32 s0, s5  }
0xe: {  	vm0 =	vmmov $0xffff;
	v1 =	vshrl.u32 v2, $0x3;
	s26 =	simm.s32 $0x7080;
	s0 =	simm.s32 $0xA080;
	s4 =	sadd.s32 s4, s9  }
0xf: {  	v0 =	vand.u32 $0x7, v2;
	v2 =	vor.u32 $0x8, v2;
	v1 =	vmul.u32 $0x8, v1;
	s8 =	sadd.s32 s8, s9;
	s9 =	smax.u32 s2, $0x1;
	s2 =	simm.s32 $0x9880  }
.LBB2_1:
0x10: {  	s18 =	simm.s32 $0xC080  }
0x11: {  	[tilespmem:s18], [sflag:$0x2] =	stream.linear.gather [hbm4b:s4+s3], $0xC000, $0x38;
	[tilespmem:$0x18080] =	vst v63  }
0x12: {  	_ = 	snop  }
0x13: {  	[tilespmem:s3], [sflag:$0x3] =	stream.linear.gather [hbm4b:s5+s3], $0x40, $0x38;
	[tilespmem:$0x18080] =	vst v63  }
0x14: {  	_ =	swait.ge [sflag:s11], $0x40  }
0x15: {  	[sflag:s11] =	ssyncset.done $0x0  }
0x16: {  	[sflag:s11] =	ssyncadd.s32 $0xFFFFFFC0  }
0x17: {  	v3 =	vld [tilespmem:$0x0];
	_ =	sdelay $0x4  }
0x18: {  	v4 =	vshrl.u32 v3, $0x3  }
0x19: {  	v4 =	vmul.u32 $0x30, v4  }
0x1a: {  	v3 =	vand.u32 $0x7, v3  }
0x1b: {  	v3 =	vor.u32 v3, v4  }
0x1c: {  	v4 =	vperm.xlane v3, v0;
	_ =	sdelay $0x1  }
0x1d: {  	v4 =	vadd.s32 v1, v4;
	_ =	sdelay $0x3  }
0x1e: {  	v3 =	vperm.xlane v3, v2  }
0x1f: {  	[tilespmem:s12], [sflag:$0x1] =	stream.indirect_vreg.gather [hbm4b:s1+s3], $0x80, v4, vm0, $0xb8;
	[tilespmem:$0x18080] =	vst v63  }
0x20: {  	s20 =	simm.s32 $0x880;
	v3 =	vadd.s32 v1, v3  }
0x21: {  	[tilespmem:s20], [sflag:$0x1] =	stream.indirect_vreg.gather [hbm4b:s6+s3], $0x80, v4, vm0, $0xb8;
	[tilespmem:$0x18080] =	vst v63  }
0x22: {  	s21 =	simm.s32 $0x1080  }
0x23: {  	[tilespmem:s21], [sflag:$0x1] =	stream.indirect_vreg.gather [hbm4b:s7+s3], $0x80, v4, vm0, $0xb8;
	[tilespmem:$0x18080] =	vst v63  }
0x24: {  	s22 =	simm.s32 $0x1880  }
0x25: {  	[tilespmem:s22], [sflag:$0x1] =	stream.indirect_vreg.gather [hbm4b:s1+s3], $0x80, v3, vm0, $0xb8;
	[tilespmem:$0x18080] =	vst v63  }
0x26: {  	s19 =	simm.s32 $0x2080  }
0x27: {  	[tilespmem:s19], [sflag:$0x1] =	stream.indirect_vreg.gather [hbm4b:s6+s3], $0x80, v3, vm0, $0xb8;
	[tilespmem:$0x18080] =	vst v63  }
0x28: {  	s20 =	simm.s32 $0x2880  }
0x29: {  	[tilespmem:s20], [sflag:$0x1] =	stream.indirect_vreg.gather [hbm4b:s7+s3], $0x80, v3, vm0, $0xb8;
	[tilespmem:$0x18080] =	vst v63  }
0x2a: {  	v3 =	vld [tilespmem:$0x10];
	_ =	sdelay $0x4  }
0x2b: {  	v4 =	vshrl.u32 v3, $0x3  }
0x2c: {  	v4 =	vmul.u32 $0x30, v4  }
0x2d: {  	v3 =	vand.u32 $0x7, v3  }
0x2e: {  	v3 =	vor.u32 v3, v4  }
0x2f: {  	v4 =	vperm.xlane v3, v0;
	_ =	sdelay $0x1  }
0x30: {  	v4 =	vadd.s32 v1, v4;
	_ =	sdelay $0x3  }
0x31: {  	s21 =	simm.s32 $0x3080;
	v3 =	vperm.xlane v3, v2  }
0x32: {  	[tilespmem:s21], [sflag:$0x1] =	stream.indirect_vreg.gather [hbm4b:s1+s3], $0x80, v4, vm0, $0xb8;
	[tilespmem:$0x18080] =	vst v63  }
0x33: {  	s22 =	simm.s32 $0x3880;
	v3 =	vadd.s32 v1, v3  }
0x34: {  	[tilespmem:s22], [sflag:$0x1] =	stream.indirect_vreg.gather [hbm4b:s6+s3], $0x80, v4, vm0, $0xb8;
	[tilespmem:$0x18080] =	vst v63  }
0x35: {  	s19 =	simm.s32 $0x4080  }
0x36: {  	[tilespmem:s19], [sflag:$0x1] =	stream.indirect_vreg.gather [hbm4b:s7+s3], $0x80, v4, vm0, $0xb8;
	[tilespmem:$0x18080] =	vst v63  }
0x37: {  	s20 =	simm.s32 $0x4880  }
0x38: {  	[tilespmem:s20], [sflag:$0x1] =	stream.indirect_vreg.gather [hbm4b:s1+s3], $0x80, v3, vm0, $0xb8;
	[tilespmem:$0x18080] =	vst v63  }
0x39: {  	s21 =	simm.s32 $0x5080  }
0x3a: {  	[tilespmem:s21], [sflag:$0x1] =	stream.indirect_vreg.gather [hbm4b:s6+s3], $0x80, v3, vm0, $0xb8;
	[tilespmem:$0x18080] =	vst v63  }
0x3b: {  	_ = 	snop  }
0x3c: {  	[tilespmem:s23], [sflag:$0x1] =	stream.indirect_vreg.gather [hbm4b:s7+s3], $0x80, v3, vm0, $0xb8;
	[tilespmem:$0x18080] =	vst v63  }
0x3d: {  	v3 =	vld [tilespmem:$0x20];
	_ =	sdelay $0x4  }
0x3e: {  	v4 =	vshrl.u32 v3, $0x3  }
0x3f: {  	v4 =	vmul.u32 $0x30, v4  }
0x40: {  	v3 =	vand.u32 $0x7, v3  }
0x41: {  	v3 =	vor.u32 v3, v4  }
0x42: {  	v4 =	vperm.xlane v3, v0;
	_ =	sdelay $0x1  }
0x43: {  	v4 =	vadd.s32 v1, v4;
	_ =	sdelay $0x3  }
0x44: {  	v3 =	vperm.xlane v3, v2  }
0x45: {  	[tilespmem:s24], [sflag:$0x1] =	stream.indirect_vreg.gather [hbm4b:s1+s3], $0x80, v4, vm0, $0xb8;
	[tilespmem:$0x18080] =	vst v63  }
0x46: {  	v3 =	vadd.s32 v1, v3  }
0x47: {  	[tilespmem:s25], [sflag:$0x1] =	stream.indirect_vreg.gather [hbm4b:s6+s3], $0x80, v4, vm0, $0xb8;
	[tilespmem:$0x18080] =	vst v63  }
0x48: {  	_ = 	snop  }
0x49: {  	[tilespmem:s26], [sflag:$0x1] =	stream.indirect_vreg.gather [hbm4b:s7+s3], $0x80, v4, vm0, $0xb8;
	[tilespmem:$0x18080] =	vst v63  }
0x4a: {  	_ = 	snop  }
0x4b: {  	[tilespmem:s28], [sflag:$0x1] =	stream.indirect_vreg.gather [hbm4b:s1+s3], $0x80, v3, vm0, $0xb8;
	[tilespmem:$0x18080] =	vst v63  }
0x4c: {  	_ = 	snop  }
0x4d: {  	[tilespmem:s29], [sflag:$0x1] =	stream.indirect_vreg.gather [hbm4b:s6+s3], $0x80, v3, vm0, $0xb8;
	[tilespmem:$0x18080] =	vst v63  }
0x4e: {  	_ = 	snop  }
0x4f: {  	[tilespmem:s30], [sflag:$0x1] =	stream.indirect_vreg.gather [hbm4b:s7+s3], $0x80, v3, vm0, $0xb8;
	[tilespmem:$0x18080] =	vst v63  }
0x50: {  	v3 =	vld [tilespmem:$0x30];
	_ =	sdelay $0x4  }
0x51: {  	v4 =	vshrl.u32 v3, $0x3  }
0x52: {  	v4 =	vmul.u32 $0x30, v4  }
0x53: {  	v3 =	vand.u32 $0x7, v3  }
0x54: {  	v3 =	vor.u32 v3, v4  }
0x55: {  	v4 =	vperm.xlane v3, v0;
	_ =	sdelay $0x1  }
0x56: {  	v4 =	vadd.s32 v1, v4;
	_ =	sdelay $0x3  }
0x57: {  	v3 =	vperm.xlane v3, v2  }
0x58: {  	[tilespmem:s31], [sflag:$0x1] =	stream.indirect_vreg.gather [hbm4b:s1+s3], $0x80, v4, vm0, $0xb8;
	[tilespmem:$0x18080] =	vst v63  }
0x59: {  	v3 =	vadd.s32 v1, v3  }
0x5a: {  	[tilespmem:s2], [sflag:$0x1] =	stream.indirect_vreg.gather [hbm4b:s6+s3], $0x80, v4, vm0, $0xb8;
	[tilespmem:$0x18080] =	vst v63  }
0x5b: {  	_ = 	snop  }
0x5c: {  	[tilespmem:s0], [sflag:$0x1] =	stream.indirect_vreg.gather [hbm4b:s7+s3], $0x80, v4, vm0, $0xb8;
	[tilespmem:$0x18080] =	vst v63  }
0x5d: {  	_ = 	snop  }
0x5e: {  	[tilespmem:s10], [sflag:$0x1] =	stream.indirect_vreg.gather [hbm4b:s1+s3], $0x80, v3, vm0, $0xb8;
	[tilespmem:$0x18080] =	vst v63  }
0x5f: {  	_ = 	snop  }
0x60: {  	[tilespmem:s13], [sflag:$0x1] =	stream.indirect_vreg.gather [hbm4b:s6+s3], $0x80, v3, vm0, $0xb8;
	[tilespmem:$0x18080] =	vst v63  }
0x61: {  	_ = 	snop  }
0x62: {  	[tilespmem:s14], [sflag:$0x1] =	stream.indirect_vreg.gather [hbm4b:s7+s3], $0x80, v3, vm0, $0xb8;
	[tilespmem:$0x18080] =	vst v63  }
0x63: {  	_ =	swait.ge [sflag:s15], $0xC000  }
0x64: {  	[sflag:s15] =	ssyncset.done $0x0  }
0x65: {  	s22 =	simm.s32 $0x0;
	[sflag:s15] =	ssyncadd.s32 $0xFFFF4000  }
0x66: {  	s18 =	smul.u32 $0x1800, s22;
	_ =	swait.ge [sflag:s16], $0xC000  }
0x67: {  	s19 =	sand.u32 $0x380, s3;
	[sflag:s16] =	ssyncset.done $0x0  }
0x68: {  	s18 =	sor.u32 s19, s18;
	[sflag:s16] =	ssyncadd.s32 $0xFFFF4000  }
0x69: {  	v12 =	vld [tilespmem:s18+$0xC080]  }
0x6a: {  	v13 =	vld [tilespmem:s18+$0xC090]  }
0x6b: {  	v14 =	vld [tilespmem:s18+$0xC0A0]  }
0x6c: {  	v15 =	vld [tilespmem:s18+$0xC0B0]  }
0x6d: {  	v16 =	vld [tilespmem:s18+$0xC0C0]  }
0x6e: {  	v17 =	vld [tilespmem:s18+$0xC0D0]  }
0x6f: {  	v18 =	vld [tilespmem:s18+$0xC0E0]  }
0x70: {  	v19 =	vld [tilespmem:s18+$0xC0F0]  }
0x71: {  	v20 =	vld [tilespmem:s18+$0xC480]  }
0x72: {  	v21 =	vld [tilespmem:s18+$0xC490]  }
0x73: {  	v22 =	vld [tilespmem:s18+$0xC4A0]  }
0x74: {  	v23 =	vld [tilespmem:s18+$0xC4B0]  }
0x75: {  	v24 =	vld [tilespmem:s18+$0xC4C0]  }
0x76: {  	v25 =	vld [tilespmem:s18+$0xC4D0]  }
0x77: {  	v26 =	vld [tilespmem:s18+$0xC4E0]  }
0x78: {  	v27 =	vld [tilespmem:s18+$0xC4F0]  }
0x79: {  	v28 =	vld [tilespmem:s18+$0xC880]  }
0x7a: {  	v29 =	vld [tilespmem:s18+$0xC890]  }
0x7b: {  	v30 =	vld [tilespmem:s18+$0xC8A0]  }
0x7c: {  	v31 =	vld [tilespmem:s18+$0xC8B0]  }
0x7d: {  	v32 =	vld [tilespmem:s18+$0xC8C0]  }
0x7e: {  	v33 =	vld [tilespmem:s18+$0xC8D0]  }
0x7f: {  	v34 =	vld [tilespmem:s18+$0xC8E0]  }
0x80: {  	v35 =	vld [tilespmem:s18+$0xC8F0]  }
0x81: {  	v36 =	vld [tilespmem:s18+$0xCC80]  }
0x82: {  	v37 =	vld [tilespmem:s18+$0xCC90]  }
0x83: {  	v38 =	vld [tilespmem:s18+$0xCCA0]  }
0x84: {  	v39 =	vld [tilespmem:s18+$0xCCB0]  }
0x85: {  	v40 =	vld [tilespmem:s18+$0xCCC0]  }
0x86: {  	v41 =	vld [tilespmem:s18+$0xCCD0]  }
0x87: {  	v42 =	vld [tilespmem:s18+$0xCCE0]  }
0x88: {  	v43 =	vld [tilespmem:s18+$0xCCF0]  }
0x89: {  	v44 =	vld [tilespmem:s18+$0xD080]  }
0x8a: {  	v45 =	vld [tilespmem:s18+$0xD090]  }
0x8b: {  	v46 =	vld [tilespmem:s18+$0xD0A0]  }
0x8c: {  	v47 =	vld [tilespmem:s18+$0xD0B0]  }
0x8d: {  	v48 =	vld [tilespmem:s18+$0xD0C0]  }
0x8e: {  	v49 =	vld [tilespmem:s18+$0xD0D0]  }
0x8f: {  	v50 =	vld [tilespmem:s18+$0xD0E0]  }
0x90: {  	v11 =	vld [tilespmem:s18+$0xD0F0]  }
0x91: {  	v10 =	vld [tilespmem:s18+$0xD480]  }
0x92: {  	v9 =	vld [tilespmem:s18+$0xD490]  }
0x93: {  	v8 =	vld [tilespmem:s18+$0xD4A0]  }
0x94: {  	v7 =	vld [tilespmem:s18+$0xD4B0]  }
0x95: {  	v6 =	vld [tilespmem:s18+$0xD4C0]  }
0x96: {  	v51 =	vld [tilespmem:s18+$0x80]  }
0x97: {  	v52 =	vld [tilespmem:s18+$0x90]  }
0x98: {  	v53 =	vld [tilespmem:s18+$0xA0]  }
0x99: {  	v54 =	vld [tilespmem:s18+$0xB0]  }
0x9a: {  	v55 =	vld [tilespmem:s18+$0xC0]  }
0x9b: {  	v62 =	vld [tilespmem:s18+$0xD0];
	v12 =	vadd.f32 v12, v51  }
0x9c: {  	v63 =	vld [tilespmem:s18+$0xE0];
	v13 =	vadd.f32 v13, v52  }
0x9d: {  	[tilespmem:s18+$0x80] =	vst v12;
	v12 =	vadd.f32 v14, v53;
	v14 =	vld [tilespmem:s18+$0xF0]  }
0x9e: {  	[tilespmem:s18+$0x90] =	vst v13;
	v13 =	vadd.f32 v15, v54;
	v15 =	vld [tilespmem:s18+$0x480]  }
0x9f: {  	[tilespmem:s18+$0xA0] =	vst v12;
	v12 =	vadd.f32 v16, v55;
	v16 =	vld [tilespmem:s18+$0x490]  }
0xa0: {  	[tilespmem:s18+$0xB0] =	vst v13;
	v13 =	vadd.f32 v17, v62;
	v17 =	vld [tilespmem:s18+$0x4A0]  }
0xa1: {  	v5 =	vld [tilespmem:s18+$0xD4D0]  }
0xa2: {  	[tilespmem:s18+$0xC0] =	vst v12;
	v12 =	vadd.f32 v18, v63;
	v18 =	vld [tilespmem:s18+$0x4F0]  }
0xa3: {  	[tilespmem:s18+$0xD0] =	vst v13;
	v13 =	vadd.f32 v19, v14;
	v14 =	vld [tilespmem:s18+$0x4B0]  }
0xa4: {  	[tilespmem:s18+$0xE0] =	vst v12;
	v12 =	vadd.f32 v20, v15;
	v15 =	vld [tilespmem:s18+$0x4C0]  }
0xa5: {  	[tilespmem:s18+$0xF0] =	vst v13;
	v13 =	vadd.f32 v21, v16;
	v16 =	vadd.f32 v22, v17;
	v17 =	vld [tilespmem:s18+$0x4E0]  }
0xa6: {  	[tilespmem:s18+$0x480] =	vst v12;
	v12 =	vld [tilespmem:s18+$0x4D0]  }
0xa7: {  	[tilespmem:s18+$0x490] =	vst v13;
	v13 =	vld [tilespmem:s18+$0x880];
	v18 =	vadd.f32 v27, v18  }
0xa8: {  	[tilespmem:s18+$0x4A0] =	vst v16;
	v16 =	vld [tilespmem:s18+$0x890];
	v14 =	vadd.f32 v23, v14  }
0xa9: {  	v4 =	vld [tilespmem:s18+$0xD4E0];
	v15 =	vadd.f32 v24, v15;
	[tilespmem:s18+$0x4F0] =	vst v18  }
0xaa: {  	[tilespmem:s18+$0x4B0] =	vst v14;
	v14 =	vld [tilespmem:s18+$0x8A0];
	v17 =	vadd.f32 v26, v17  }
0xab: {  	v12 =	vadd.f32 v25, v12;
	[tilespmem:s18+$0x4C0] =	vst v15;
	v15 =	vld [tilespmem:s18+$0x8B0]  }
0xac: {  	v18 =	vld [tilespmem:s18+$0x8F0];
	[tilespmem:s18+$0x4E0] =	vst v17;
	v13 =	vadd.f32 v28, v13  }
0xad: {  	v16 =	vadd.f32 v29, v16;
	[tilespmem:s18+$0x4D0] =	vst v12;
	v12 =	vld [tilespmem:s18+$0x8C0]  }
0xae: {  	v17 =	vld [tilespmem:s18+$0x8D0];
	[tilespmem:s18+$0x880] =	vst v13  }
0xaf: {  	[tilespmem:s18+$0x890] =	vst v16;
	v16 =	vld [tilespmem:s18+$0x8E0];
	v13 =	vadd.f32 v30, v14  }
0xb0: {  	v14 =	vld [tilespmem:s18+$0xC80];
	v15 =	vadd.f32 v31, v15  }
0xb1: {  	[tilespmem:s18+$0x8A0] =	vst v13;
	v13 =	vld [tilespmem:s18+$0xC90]  }
0xb2: {  	v12 =	vadd.f32 v32, v12;
	[tilespmem:s18+$0x8B0] =	vst v15;
	v15 =	vld [tilespmem:s18+$0xCA0]  }
0xb3: {  	v3 =	vld [tilespmem:s18+$0xD4F0];
	v17 =	vadd.f32 v33, v17  }
0xb4: {  	v16 =	vadd.f32 v34, v16;
	[tilespmem:s18+$0x8C0] =	vst v12;
	v12 =	vld [tilespmem:s18+$0xCB0]  }
0xb5: {  	[tilespmem:s18+$0x8D0] =	vst v17;
	v17 =	vld [tilespmem:s18+$0xCC0];
	v14 =	vadd.f32 v36, v14  }
0xb6: {  	v18 =	vadd.f32 v35, v18;
	[tilespmem:s18+$0x8E0] =	vst v16;
	v16 =	vld [tilespmem:s18+$0xCD0]  }
0xb7: {  	v13 =	vadd.f32 v37, v13;
	[tilespmem:s18+$0xC80] =	vst v14;
	v14 =	vadd.f32 v38, v15;
	v15 =	vld [tilespmem:s18+$0xCE0]  }
0xb8: {  	[tilespmem:s18+$0x8F0] =	vst v18;
	v18 =	vld [tilespmem:s18+$0xCF0]  }
0xb9: {  	[tilespmem:s18+$0xC90] =	vst v13;
	v13 =	vld [tilespmem:s18+$0x1080];
	v12 =	vadd.f32 v39, v12  }
0xba: {  	v17 =	vadd.f32 v40, v17;
	[tilespmem:s18+$0xCA0] =	vst v14;
	v14 =	vld [tilespmem:s18+$0x1090]  }
0xbb: {  	v16 =	vadd.f32 v41, v16;
	[tilespmem:s18+$0xCB0] =	vst v12;
	v12 =	vld [tilespmem:s18+$0x10A0]  }
0xbc: {  	[tilespmem:s18+$0xCC0] =	vst v17;
	v17 =	vld [tilespmem:s18+$0x10B0];
	v15 =	vadd.f32 v42, v15  }
0xbd: {  	v19 =	vld [tilespmem:s18+$0x10C0];
	[tilespmem:s18+$0xCD0] =	vst v16;
	v16 =	vadd.f32 v43, v18  }
0xbe: {  	v18 =	vld [tilespmem:s18+$0x10D0];
	v13 =	vadd.f32 v44, v13;
	[tilespmem:s18+$0xCE0] =	vst v15  }
0xbf: {  	v20 =	vld [tilespmem:s18+$0x10E0];
	[tilespmem:s18+$0xCF0] =	vst v16;
	v14 =	vadd.f32 v45, v14  }
0xc0: {  	v16 =	vld [tilespmem:s18+$0x10F0];
	[tilespmem:s18+$0x1080] =	vst v13;
	v12 =	vadd.f32 v46, v12  }
0xc1: {  	v15 =	vld [tilespmem:s18+$0x1480];
	v13 =	vadd.f32 v47, v17;
	[tilespmem:s18+$0x1090] =	vst v14  }
0xc2: {  	v14 =	vld [tilespmem:s18+$0x1490];
	[tilespmem:s18+$0x10A0] =	vst v12;
	v12 =	vadd.f32 v48, v19  }
0xc3: {  	[tilespmem:s18+$0x10B0] =	vst v13;
	v13 =	vld [tilespmem:s18+$0x14A0];
	v18 =	vadd.f32 v49, v18  }
0xc4: {  	s19 =	simm.s32 $0x1;
	s20 =	simm.s32 $0x0;
	v17 =	vadd.f32 v50, v20;
	[tilespmem:s18+$0x10C0] =	vst v12;
	v12 =	vld [tilespmem:s18+$0x14B0]  }
.LBB2_2:
0xc5: {  	s21 =	sshrl.u32 s19, $0x3;
	p0 =	sne.s32 s19, $0x3F;
	[tilespmem:s18+$0x10D0] =	vst v18;
	v11 =	vadd.f32 v11, v16;
	v16 =	vld [tilespmem:s18+$0x14C0]  }
0xc6: {  	s20 =	sadd.s32 $0x80, s20;
	s21 =	smul.u32 $0x1800, s21;
	[tilespmem:s18+$0x10E0] =	vst v17;
	v10 =	vadd.f32 v10, v15;
	v15 =	vld [tilespmem:s18+$0x14D0]  }
0xc7: {  	s22 =	sand.u32 $0x380, s20;
	[tilespmem:s18+$0x10F0] =	vst v11;
	v9 =	vadd.f32 v9, v14;
	v11 =	vld [tilespmem:s18+$0x14E0]  }
0xc8: {  	s21 =	sor.u32 s22, s21;
	[tilespmem:s18+$0x1480] =	vst v10;
	v8 =	vadd.f32 v8, v13;
	v10 =	vld [tilespmem:s18+$0x14F0]  }
0xc9: {  	v39 =	vld [tilespmem:s21+$0xC080];
	[tilespmem:s18+$0x1490] =	vst v9;
	v7 =	vadd.f32 v7, v12  }
0xca: {  	v40 =	vld [tilespmem:s21+$0xC090];
	[tilespmem:s18+$0x14A0] =	vst v8;
	v6 =	vadd.f32 v6, v16  }
0xcb: {  	v41 =	vld [tilespmem:s21+$0xC0A0];
	[tilespmem:s18+$0x14B0] =	vst v7;
	v5 =	vadd.f32 v5, v15  }
0xcc: {  	v42 =	vld [tilespmem:s21+$0xC0B0];
	[tilespmem:s18+$0x14C0] =	vst v6;
	v4 =	vadd.f32 v4, v11  }
0xcd: {  	v43 =	vld [tilespmem:s21+$0xC0C0];
	[tilespmem:s18+$0x14D0] =	vst v5;
	v3 =	vadd.f32 v3, v10  }
0xce: {  	v44 =	vld [tilespmem:s21+$0xC0D0];
	[tilespmem:s18+$0x14E0] =	vst v4  }
0xcf: {  	v45 =	vld [tilespmem:s21+$0xC0E0];
	[tilespmem:s18+$0x14F0] =	vst v3;
	s18 =	smov.u32 s21  }
0xd0: {  	v46 =	vld [tilespmem:s18+$0xC0F0]  }
0xd1: {  	v47 =	vld [tilespmem:s18+$0xC480]  }
0xd2: {  	v48 =	vld [tilespmem:s18+$0xC490]  }
0xd3: {  	v49 =	vld [tilespmem:s18+$0xC4A0]  }
0xd4: {  	v50 =	vld [tilespmem:s18+$0xC4B0]  }
0xd5: {  	v38 =	vld [tilespmem:s18+$0xC4C0]  }
0xd6: {  	v37 =	vld [tilespmem:s18+$0xC4D0]  }
0xd7: {  	v36 =	vld [tilespmem:s18+$0xC4E0]  }
0xd8: {  	v35 =	vld [tilespmem:s18+$0xC4F0]  }
0xd9: {  	v34 =	vld [tilespmem:s18+$0xC880]  }
0xda: {  	v33 =	vld [tilespmem:s18+$0xC890]  }
0xdb: {  	v32 =	vld [tilespmem:s18+$0xC8A0]  }
0xdc: {  	v31 =	vld [tilespmem:s18+$0xC8B0]  }
0xdd: {  	v30 =	vld [tilespmem:s18+$0xC8C0]  }
0xde: {  	v29 =	vld [tilespmem:s18+$0xC8D0]  }
0xdf: {  	v28 =	vld [tilespmem:s18+$0xC8E0]  }
0xe0: {  	v27 =	vld [tilespmem:s18+$0xC8F0]  }
0xe1: {  	v26 =	vld [tilespmem:s18+$0xCC80]  }
0xe2: {  	v25 =	vld [tilespmem:s18+$0xCC90]  }
0xe3: {  	v24 =	vld [tilespmem:s18+$0xCCA0]  }
0xe4: {  	v23 =	vld [tilespmem:s18+$0xCCB0]  }
0xe5: {  	v22 =	vld [tilespmem:s18+$0xCCC0]  }
0xe6: {  	v21 =	vld [tilespmem:s18+$0xCCD0]  }
0xe7: {  	v20 =	vld [tilespmem:s18+$0xCCE0]  }
0xe8: {  	v19 =	vld [tilespmem:s18+$0xCCF0]  }
0xe9: {  	v18 =	vld [tilespmem:s18+$0xD080]  }
0xea: {  	v17 =	vld [tilespmem:s18+$0xD090]  }
0xeb: {  	v16 =	vld [tilespmem:s18+$0xD0A0]  }
0xec: {  	v15 =	vld [tilespmem:s18+$0xD0B0]  }
0xed: {  	v14 =	vld [tilespmem:s18+$0xD0C0]  }
0xee: {  	v13 =	vld [tilespmem:s18+$0xD0D0]  }
0xef: {  	v12 =	vld [tilespmem:s18+$0xD0E0]  }
0xf0: {  	v11 =	vld [tilespmem:s18+$0xD0F0]  }
0xf1: {  	v10 =	vld [tilespmem:s18+$0xD480]  }
0xf2: {  	v9 =	vld [tilespmem:s18+$0xD490]  }
0xf3: {  	v8 =	vld [tilespmem:s18+$0xD4A0]  }
0xf4: {  	v7 =	vld [tilespmem:s18+$0xD4B0]  }
0xf5: {  	v6 =	vld [tilespmem:s18+$0xD4C0]  }
0xf6: {  	v5 =	vld [tilespmem:s18+$0xD4D0]  }
0xf7: {  	v4 =	vld [tilespmem:s18+$0xD4E0]  }
0xf8: {  	v3 =	vld [tilespmem:s18+$0xD4F0]  }
0xf9: {  	v51 =	vld [tilespmem:s18+$0x80]  }
0xfa: {  	v52 =	vld [tilespmem:s18+$0x90]  }
0xfb: {  	v53 =	vld [tilespmem:s18+$0xA0]  }
0xfc: {  	v54 =	vld [tilespmem:s18+$0xB0]  }
0xfd: {  	v55 =	vld [tilespmem:s18+$0xC0]  }
0xfe: {  	v39 =	vadd.f32 v39, v51;
	v51 =	vld [tilespmem:s18+$0xD0]  }
0xff: {  	v40 =	vadd.f32 v40, v52;
	v52 =	vld [tilespmem:s18+$0xE0]  }
0x100: {  	[tilespmem:s18+$0x80] =	vst v39;
	v39 =	vadd.f32 v41, v53;
	v41 =	vld [tilespmem:s18+$0xF0]  }
0x101: {  	[tilespmem:s18+$0x90] =	vst v40;
	v40 =	vadd.f32 v42, v54;
	v42 =	vld [tilespmem:s18+$0x480]  }
0x102: {  	[tilespmem:s18+$0xA0] =	vst v39;
	v39 =	vadd.f32 v43, v55;
	v43 =	vld [tilespmem:s18+$0x490]  }
0x103: {  	[tilespmem:s18+$0xB0] =	vst v40;
	v40 =	vadd.f32 v44, v51;
	v44 =	vld [tilespmem:s18+$0x4A0]  }
0x104: {  	[tilespmem:s18+$0xC0] =	vst v39;
	v39 =	vadd.f32 v45, v52;
	v45 =	vld [tilespmem:s18+$0x4B0]  }
0x105: {  	[tilespmem:s18+$0xD0] =	vst v40;
	v40 =	vadd.f32 v46, v41;
	v41 =	vld [tilespmem:s18+$0x4C0]  }
0x106: {  	[tilespmem:s18+$0xE0] =	vst v39;
	v39 =	vadd.f32 v47, v42;
	v42 =	vld [tilespmem:s18+$0x4D0]  }
0x107: {  	[tilespmem:s18+$0xF0] =	vst v40;
	v40 =	vadd.f32 v48, v43;
	v43 =	vld [tilespmem:s18+$0x4E0]  }
0x108: {  	[tilespmem:s18+$0x480] =	vst v39;
	v39 =	vadd.f32 v49, v44;
	v44 =	vld [tilespmem:s18+$0x4F0]  }
0x109: {  	[tilespmem:s18+$0x490] =	vst v40;
	v40 =	vadd.f32 v50, v45;
	v45 =	vld [tilespmem:s18+$0x880]  }
0x10a: {  	[tilespmem:s18+$0x4A0] =	vst v39;
	v38 =	vadd.f32 v38, v41;
	v39 =	vld [tilespmem:s18+$0x890]  }
0x10b: {  	[tilespmem:s18+$0x4B0] =	vst v40;
	v37 =	vadd.f32 v37, v42;
	v40 =	vld [tilespmem:s18+$0x8A0]  }
0x10c: {  	[tilespmem:s18+$0x4C0] =	vst v38;
	v36 =	vadd.f32 v36, v43;
	v38 =	vld [tilespmem:s18+$0x8B0]  }
0x10d: {  	[tilespmem:s18+$0x4D0] =	vst v37;
	v35 =	vadd.f32 v35, v44;
	v37 =	vld [tilespmem:s18+$0x8C0]  }
0x10e: {  	[tilespmem:s18+$0x4E0] =	vst v36;
	v34 =	vadd.f32 v34, v45;
	v36 =	vld [tilespmem:s18+$0x8D0]  }
0x10f: {  	[tilespmem:s18+$0x4F0] =	vst v35;
	v33 =	vadd.f32 v33, v39;
	v35 =	vld [tilespmem:s18+$0x8E0]  }
0x110: {  	[tilespmem:s18+$0x880] =	vst v34;
	v32 =	vadd.f32 v32, v40;
	v34 =	vld [tilespmem:s18+$0x8F0]  }
0x111: {  	[tilespmem:s18+$0x890] =	vst v33;
	v31 =	vadd.f32 v31, v38;
	v33 =	vld [tilespmem:s18+$0xC80]  }
0x112: {  	[tilespmem:s18+$0x8A0] =	vst v32;
	v30 =	vadd.f32 v30, v37;
	v32 =	vld [tilespmem:s18+$0xC90]  }
0x113: {  	[tilespmem:s18+$0x8B0] =	vst v31;
	v29 =	vadd.f32 v29, v36;
	v31 =	vld [tilespmem:s18+$0xCA0]  }
0x114: {  	[tilespmem:s18+$0x8C0] =	vst v30;
	v28 =	vadd.f32 v28, v35;
	v30 =	vld [tilespmem:s18+$0xCB0]  }
0x115: {  	[tilespmem:s18+$0x8D0] =	vst v29;
	v27 =	vadd.f32 v27, v34;
	v29 =	vld [tilespmem:s18+$0xCC0]  }
0x116: {  	[tilespmem:s18+$0x8E0] =	vst v28;
	v26 =	vadd.f32 v26, v33;
	v28 =	vld [tilespmem:s18+$0xCD0]  }
0x117: {  	[tilespmem:s18+$0x8F0] =	vst v27;
	v25 =	vadd.f32 v25, v32;
	v27 =	vld [tilespmem:s18+$0xCE0]  }
0x118: {  	[tilespmem:s18+$0xC80] =	vst v26;
	v24 =	vadd.f32 v24, v31;
	v26 =	vld [tilespmem:s18+$0xCF0]  }
0x119: {  	[tilespmem:s18+$0xC90] =	vst v25;
	v23 =	vadd.f32 v23, v30;
	v25 =	vld [tilespmem:s18+$0x1080]  }
0x11a: {  	[tilespmem:s18+$0xCA0] =	vst v24;
	v22 =	vadd.f32 v22, v29;
	v24 =	vld [tilespmem:s18+$0x1090]  }
0x11b: {  	[tilespmem:s18+$0xCB0] =	vst v23;
	v21 =	vadd.f32 v21, v28;
	v23 =	vld [tilespmem:s18+$0x10A0]  }
0x11c: {  	[tilespmem:s18+$0xCC0] =	vst v22;
	v20 =	vadd.f32 v20, v27;
	v22 =	vld [tilespmem:s18+$0x10B0]  }
0x11d: {  	[tilespmem:s18+$0xCD0] =	vst v21;
	v19 =	vadd.f32 v19, v26;
	v21 =	vld [tilespmem:s18+$0x10C0]  }
0x11e: {  	[tilespmem:s18+$0xCE0] =	vst v20;
	v18 =	vadd.f32 v18, v25;
	v20 =	vld [tilespmem:s18+$0x10D0]  }
0x11f: {  	[tilespmem:s18+$0xCF0] =	vst v19;
	v17 =	vadd.f32 v17, v24;
	v19 =	vld [tilespmem:s18+$0x10E0]  }
.Ltmp0:
0x120: {  	[tilespmem:s18+$0x1080] =	vst v18;
	v18 =	vadd.f32 v16, v23;
	v16 =	vld [tilespmem:s18+$0x10F0];
	(pc) =	sbr.rel @p0 .LBB2_2-.Ltmp0, $4  }
0x121: {  	[tilespmem:s18+$0x1090] =	vst v17;
	v17 =	vadd.f32 v15, v22;
	v15 =	vld [tilespmem:s18+$0x1480]  }
0x122: {  	[tilespmem:s18+$0x10A0] =	vst v18;
	v21 =	vadd.f32 v14, v21;
	v14 =	vld [tilespmem:s18+$0x1490]  }
0x123: {  	[tilespmem:s18+$0x10B0] =	vst v17;
	v18 =	vadd.f32 v13, v20;
	v13 =	vld [tilespmem:s18+$0x14A0]  }
0x124: {  	s19 =	sadd.s32 $0x1, s19;
	[tilespmem:s18+$0x10C0] =	vst v21;
	v17 =	vadd.f32 v12, v19;
	v12 =	vld [tilespmem:s18+$0x14B0]  }
0x125: {  	[tilespmem:s18+$0x10D0] =	vst v18;
	v60 =	vld [tilespmem:s18+$0x14C0];
	v11 =	vadd.f32 v11, v16  }
0x126: {  	v61 =	vld [tilespmem:s18+$0x14D0];
	[tilespmem:s18+$0x10E0] =	vst v17;
	v10 =	vadd.f32 v10, v15  }
0x127: {  	v62 =	vld [tilespmem:s18+$0x14E0];
	[tilespmem:s18+$0x10F0] =	vst v11;
	v9 =	vadd.f32 v9, v14  }
0x128: {  	v63 =	vld [tilespmem:s18+$0x14F0];
	[tilespmem:s18+$0x1480] =	vst v10;
	v8 =	vadd.f32 v8, v13  }
0x129: {  	[tilespmem:s18+$0x1490] =	vst v9;
	v7 =	vadd.f32 v7, v12  }
0x12a: {  	[tilespmem:s18+$0x14A0] =	vst v8;
	v6 =	vadd.f32 v6, v60  }
0x12b: {  	v5 =	vadd.f32 v5, v61;
	[tilespmem:s18+$0x14B0] =	vst v7  }
0x12c: {  	v4 =	vadd.f32 v4, v62;
	[tilespmem:s18+$0x14C0] =	vst v6  }
0x12d: {  	s17 =	sadd.s32 $0x1, s17;
	v3 =	vadd.f32 v3, v63;
	[tilespmem:s18+$0x14D0] =	vst v5  }
0x12e: {  	p0 =	sne.s32 s17, s9;
	[tilespmem:s18+$0x14E0] =	vst v4  }
.Ltmp1:
0x12f: {  	[tilespmem:s18+$0x14F0] =	vst v3;
	(pc) =	sbr.rel @p0 .LBB2_1-.Ltmp1, $4  }
0x130: {  	[hbm4b:s8+s3] =	stream.linear.scatter [tilespmem:s12], [sflag:$0x3], $0xC000, $0x38;
	[tilespmem:$0x18080] =	vst v63  }
0x131: {  	_ =	swait.ge [sflag:s11], $0xC000  }
0x132: {  	[sflag:s11] =	ssyncset.done $0x0  }
0x133: {  	[sflag:s11] =	ssyncadd.s32 $0xFFFF4000  }
0x134: {  	_ =	sfence.sel $0x180000  }
0x135: {  	[bflag:$0x0] =	sbarrier.arrive $0xFFFF  }
0x136: {  	_ =	strace $0x90000047  }
0x137: {  	s0 =	stileid.u32;
	[bflag:$0x2] =	sbarrier.arrive $0xFFFF  }
0x138: {  	p0 =	sne.s32 s0, $0x0;
	s0 =	rddreg [dreg:$0x4]  }
0x139: {  	s0 =	sadd.s32 @!p0 $0x100000, s0  }
0x13a: {  	[sflag:s0] =	ssyncadd.tile.s32 @!p0 $0x1;
	_ =	shalt  }
.Lfunc_end2:
_tile_overlayer_lowered:
.L_overlay_start_2:
0x13b: {  	(tag) =	ssettag $0x2  }
0x13c: {  	s0 =	rddreg [dreg:$0x0];
	s2 =	stileid.u32  }
0x13d: {  	s1 =	rddreg [dreg:$0x1];
	p0 =	sne.s32 s2, $0x0  }
0x13e: {  	s3 =	rddreg [dreg:$0x2];
	[bflag:$0x3] =	sbarrier.arrive $0xFFFF;
	s2 =	simm.s32 @!p0 $0x1C03  }
0x13f: {  	[timem:s3], [sflag:s2] =	dma.local @!p0 [hbm:s0], s1  }
0x140: {  	s0 =	simm.s32 @!p0 $0x3  }
0x141: {  	_ =	swait.ge @!p0 [sflag:s0], s1  }
0x142: {  	s1 =	ssub.s32 @!p0 $0x0, s1;
	[sflag:s0] =	ssyncset.done @!p0 $0x0  }
0x143: {  	[sflag:s0] =	ssyncadd.s32 @!p0 s1  }
0x144: {  	[bflag:$0x3] =	sbarrier.arrive $0xFFFF  }
0x145: {  	_ =	shalt  }

</sc_bundles>
